<compile_context>
chip_gen: v7x
topology: tpu7x:2x2x1
jax: 0.10.2.dev20260603
libtpu: 0.0.44.dev20260713+nightly
codegen_flags: <defaults>
</compile_context>

<pallas_src>
import functools

import jax
import jax.numpy as jnp
from jax import lax
from jax.experimental import pallas as pl
from jax.experimental.pallas import tpu as pltpu
from jax.experimental.pallas import tpu_sc as plsc

CH = 64
LANES = 16
NSLOT = 3


def _round_up(a, m):
    return (a + m - 1) // m * m


def kernel(x, edge_index, W, b):
    N, D = x.shape
    E = edge_index.shape[1]

    mesh = plsc.VectorSubcoreMesh(core_axis_name="c", subcore_axis_name="s")
    NC, NS = mesh.num_cores, mesh.num_subcores
    NW = NC * NS

    NP = _round_up(N + 1, NW * LANES)
    EP = _round_up(E, NW * CH * NSLOT)
    EPT = EP // NW
    G = EPT // CH
    RPT = NP // NS

    src = edge_index[0]
    dst = edge_index[1]
    pad = EP - E
    pad_idx = N + (jnp.arange(pad, dtype=jnp.int32) % (NP - N))
    src_p = jnp.concatenate([src, pad_idx])
    dst_p = jnp.concatenate([dst, pad_idx])
    packed3 = (src_p | (dst_p << 16)).reshape(NW, G, CH)
    dst3 = dst_p.reshape(NW, G, CH)
    x_pad = jnp.pad(x, ((0, NP - N), (0, 0)))

    @functools.partial(
        pl.kernel,
        out_type=jax.ShapeDtypeStruct((NW, NP), jnp.float32),
        mesh=mesh,
        scratch_types=[
            pltpu.VMEM((G, CH), jnp.int32),
            pltpu.VMEM((NP,), jnp.float32),
        ],
        compiler_params=pltpu.CompilerParams(needs_layout_passes=False),
    )
    def hist_kernel(dst_hbm, out_hbm, idx_v, cnt_v):
        c = lax.axis_index("c")
        s = lax.axis_index("s")
        wid = s * NC + c
        pltpu.sync_copy(dst_hbm.at[wid], idx_v)
        zeros = jnp.zeros((LANES,), jnp.float32)

        def zero_body(i, carry):
            cnt_v[pl.ds(i * LANES, LANES)] = zeros
            return carry

        lax.fori_loop(0, NP // LANES, zero_body, 0)
        ones = jnp.full((LANES,), 1.0, jnp.float32)

        def body(g, carry):
            for j in range(CH // LANES):
                idx = idx_v[g, pl.ds(j * LANES, LANES)]
                plsc.addupdate_scatter(cnt_v, [idx], ones)
            return carry

        lax.fori_loop(0, G, body, 0)
        pltpu.sync_copy(cnt_v, out_hbm.at[wid])

    hist = hist_kernel(dst3)

    RB = 512

    def xform_body(x_ref, w_ref, h_ref, xs_ref):
        deg = jnp.sum(h_ref[...], axis=0) + 1.0
        dinv = lax.rsqrt(deg)
        xw = jnp.dot(x_ref[...], w_ref[...], preferred_element_type=jnp.float32)
        xs_ref[...] = xw * dinv[:, None]

    xs = pl.pallas_call(
        xform_body,
        grid=(NP // RB,),
        in_specs=[
            pl.BlockSpec((RB, D), lambda i: (i, 0)),
            pl.BlockSpec((D, D), lambda i: (0, 0)),
            pl.BlockSpec((NW, RB), lambda i: (0, i)),
        ],
        out_specs=pl.BlockSpec((RB, D), lambda i: (i, 0)),
        out_shape=jax.ShapeDtypeStruct((NP, D), jnp.float32),
    )(x_pad, W, hist)

    @functools.partial(
        pl.kernel,
        out_type=jax.ShapeDtypeStruct((NC, NP, D), jnp.float32),
        mesh=mesh,
        scratch_types=[
            pltpu.VMEM((G, CH), jnp.int32),
            pltpu.VMEM((NSLOT, CH), jnp.int32),
            pltpu.VMEM((NSLOT, CH), jnp.int32),
            pltpu.VMEM((NSLOT * CH, D), jnp.float32),
            pltpu.VMEM_SHARED((NP, D), jnp.float32),
            pltpu.SemaphoreType.DMA,
        ],
        compiler_params=pltpu.CompilerParams(needs_layout_passes=False),
    )
    def edge_kernel(xs_hbm, pk_hbm, out_hbm, pk_v, src_b, dst_b, rows_v,
                    agg_sh, sem):
        c = lax.axis_index("c")
        s = lax.axis_index("s")
        wid = s * NC + c
        pltpu.sync_copy(xs_hbm.at[pl.ds(s * RPT, RPT)],
                        agg_sh.at[pl.ds(s * RPT, RPT)])
        pltpu.sync_copy(pk_hbm.at[wid], pk_v)

        def unpack(g, bi):
            for j in range(CH // LANES):
                v = pk_v[g, pl.ds(j * LANES, LANES)]
                src_b[bi, pl.ds(j * LANES, LANES)] = v & 0xFFFF
                dst_b[bi, pl.ds(j * LANES, LANES)] = v >> 16

        plsc.subcore_barrier()
        for bi in range(NSLOT):
            unpack(bi, bi)
            pltpu.async_copy(xs_hbm.at[src_b.at[bi]],
                             rows_v.at[pl.ds(bi * CH, CH)], sem)

        def body(t, carry):
            for bi in range(NSLOT):
                g = t * NSLOT + bi
                sl = rows_v.at[pl.ds(bi * CH, CH)]
                pltpu.make_async_copy(xs_hbm.at[pl.ds(0, CH)], sl, sem).wait()
                pltpu.sync_copy(sl, agg_sh.at[dst_b.at[bi]], add=True)
                unpack(g + NSLOT, bi)
                pltpu.async_copy(xs_hbm.at[src_b.at[bi]], sl, sem)
            return carry

        lax.fori_loop(0, G // NSLOT - 1, body, 0)
        for bi in range(NSLOT):
            sl = rows_v.at[pl.ds(bi * CH, CH)]
            pltpu.make_async_copy(xs_hbm.at[pl.ds(0, CH)], sl, sem).wait()
            pltpu.sync_copy(sl, agg_sh.at[dst_b.at[bi]], add=True)
        plsc.subcore_barrier()
        pltpu.sync_copy(agg_sh.at[pl.ds(s * RPT, RPT)],
                        out_hbm.at[c, pl.ds(s * RPT, RPT)])

    partials = edge_kernel(xs, packed3)

    RD = 1024

    def final_body(p_ref, xs_ref, h_ref, b_ref, o_ref):
        deg = jnp.sum(h_ref[...], axis=0) + 1.0
        dinv = lax.rsqrt(deg)
        acc = jnp.sum(p_ref[...], axis=0) - xs_ref[...]
        o_ref[...] = jnp.maximum(acc * dinv[:, None] + b_ref[...], 0.0)

    out = pl.pallas_call(
        final_body,
        grid=(NP // RD,),
        in_specs=[
            pl.BlockSpec((NC, RD, D), lambda i: (0, i, 0)),
            pl.BlockSpec((RD, D), lambda i: (i, 0)),
            pl.BlockSpec((NW, RD), lambda i: (0, i)),
            pl.BlockSpec((1, D), lambda i: (0, 0)),
        ],
        out_specs=pl.BlockSpec((RD, D), lambda i: (i, 0)),
        out_shape=jax.ShapeDtypeStruct((NP, D), jnp.float32),
    )(partials, xs, hist, b.reshape(1, D))

    return out[:N]

# --- scband reference (transcript-rebuilt; emitter-appended) ---
"""Pipeline reference for scband-gcnmodule-88364657148497 (READ-ONLY COPY).

The authoritative reference and input builder live on the scoring server;
editing this copy changes nothing except your own understanding.
"""

import jax, jax.numpy as jnp
import numpy as np

N = 10000
E = 320000
D = 128

def setup_inputs(seed: int = 0) -> dict:
    key = jax.random.key(seed)
    k1, k2, k3, k4 = jax.random.split(key, 4)
    x = jax.random.normal(k1, (N, D), dtype=jnp.float32)
    edge_index = jax.random.randint(k2, (2, E), 0, N, dtype=jnp.int32)
    # GCNConv learned params: weight [D, D] (glorot-ish) and bias [D]
    W = jax.random.normal(k3, (D, D), dtype=jnp.float32) * (1.0 / np.sqrt(D))
    b = jnp.zeros((D,), dtype=jnp.float32)
    return {"x": x, "edge_index": edge_index, "W": W, "b": b}

def reference(x, edge_index, W, b):
    # Faithful GCNConv (add_self_loops=True, normalize=True, symmetric norm)
    n = x.shape[0]
    src = edge_index[0]
    dst = edge_index[1]
    loop = jnp.arange(n, dtype=src.dtype)
    src = jnp.concatenate([src, loop])
    dst = jnp.concatenate([dst, loop])
    # linear transform first (as in PyG GCNConv)
    xw = x @ W
    # symmetric degree normalization with self-loops, edge_weight = 1
    ones = jnp.ones(dst.shape[0], dtype=xw.dtype)
    deg = jax.ops.segment_sum(ones, dst, num_segments=n)
    dinv = jnp.where(deg > 0, jax.lax.rsqrt(deg), 0.0)
    norm = dinv[src] * dinv[dst]
    # gather messages from source nodes, scale, scatter-add to dst
    msg = jnp.take(xw, src, axis=0) * norm[:, None]
    agg = jax.ops.segment_sum(msg, dst, num_segments=n)
    out = agg + b
    # ReLU; Dropout is identity in eval mode
    out = jax.nn.relu(out)
    return out

if __name__ == "__main__":
    import jax
    _d = setup_inputs()
    print(jax.jit(kernel)(*tuple(_d.values())))

</pallas_src>

<mosaic_0001>
#map = affine_map<(d0, d1) -> (0, 0, 0)>
#map1 = affine_map<(d0, d1) -> (0, 0)>
module attributes {stable_mosaic.version = 14 : i64} {
  func.func @hist_kernel(%arg0: i32, %arg1: i32, %arg2: memref<32x159x64xi32, #tpu.memory_space<hbm>>, %arg3: memref<32x10240xf32, #tpu.memory_space<hbm>>, %arg4: memref<159x64xi32, #tpu.memory_space<vmem>>, %arg5: memref<10240xf32, #tpu.memory_space<vmem>>) attributes {dimension_semantics = [#tpu.dimension_semantics<core_parallel>, #tpu.dimension_semantics<subcore_parallel>], iteration_bounds = array<i64: 2, 16>, scalar_prefetch = 0 : i64, scratch_operands = 2 : i64, tpu.core_type = #tpu.core_type<sc_vector_subcore>, window_params = [{transform_indices = #map}, {transform_indices = #map1}]} {
    %mul3A = arith.constant 2 : i32
    %mul3A_0 = arith.muli %arg1, %mul3A : i32
    %add3A = arith.addi %mul3A_0, %arg0 : i32
    "tpu.region"() ({
      %run_scoped3A = tpu.sem_alloc : memref<!tpu.dma_semaphore, #tpu.memory_space<semaphore_mem>>
      %dma_start3A = arith.constant 0 : i32
      %dma_start3A_15 = arith.constant 0 : i32
      %dma_start3A_16 = tpu.memref_slice %arg2[%add3A, %dma_start3A, %dma_start3A_15] : memref<32x159x64xi32, #tpu.memory_space<hbm>> -> memref<1x159x64xi32, #tpu.memory_space<hbm>>
      %dma_start3A_17 = tpu.memref_squeeze %dma_start3A_16 : memref<1x159x64xi32, #tpu.memory_space<hbm>> -> memref<159x64xi32, #tpu.memory_space<hbm>>
      %dma_start3A_18 = arith.constant 0 : i32
      %dma_start3A_19 = arith.constant 0 : i32
      %dma_start3A_20 = tpu.memref_slice %arg2[%add3A, %dma_start3A_18, %dma_start3A_19] : memref<32x159x64xi32, #tpu.memory_space<hbm>> -> memref<1x159x64xi32, #tpu.memory_space<hbm>>
      %dma_start3A_21 = tpu.memref_squeeze %dma_start3A_20 : memref<1x159x64xi32, #tpu.memory_space<hbm>> -> memref<159x64xi32, #tpu.memory_space<hbm>>
      tpu.enqueue_dma source(%dma_start3A_21 : memref<159x64xi32, #tpu.memory_space<hbm>>) target(%arg4 : memref<159x64xi32, #tpu.memory_space<vmem>>) target_semaphore(%run_scoped3A : memref<!tpu.dma_semaphore, #tpu.memory_space<semaphore_mem>>)
      %dma_wait3A = arith.constant 0 : i32
      %dma_wait3A_22 = arith.constant 0 : i32
      %dma_wait3A_23 = tpu.memref_slice %arg2[%add3A, %dma_wait3A, %dma_wait3A_22] : memref<32x159x64xi32, #tpu.memory_space<hbm>> -> memref<1x159x64xi32, #tpu.memory_space<hbm>>
      %dma_wait3A_24 = tpu.memref_squeeze %dma_wait3A_23 : memref<1x159x64xi32, #tpu.memory_space<hbm>> -> memref<159x64xi32, #tpu.memory_space<hbm>>
      %dma_wait3A_25 = arith.constant 0 : i32
      %dma_wait3A_26 = arith.constant 0 : i32
      %dma_wait3A_27 = tpu.memref_slice %arg2[%add3A, %dma_wait3A_25, %dma_wait3A_26] : memref<32x159x64xi32, #tpu.memory_space<hbm>> -> memref<1x159x64xi32, #tpu.memory_space<hbm>>
      %dma_wait3A_28 = tpu.memref_squeeze %dma_wait3A_27 : memref<1x159x64xi32, #tpu.memory_space<hbm>> -> memref<159x64xi32, #tpu.memory_space<hbm>>
      tpu.wait_dma2 semaphore(%run_scoped3A : memref<!tpu.dma_semaphore, #tpu.memory_space<semaphore_mem>>) src(%dma_wait3A_28 : memref<159x64xi32, #tpu.memory_space<hbm>>) dst(%arg4 : memref<159x64xi32, #tpu.memory_space<vmem>>)
      tpu.yield
    }) : () -> ()
    %broadcast_in_dim3A = arith.constant 0.000000e+00 : f32
    %broadcast_in_dim3A_1 = vector.broadcast %broadcast_in_dim3A : f32 to vector<16xf32>
    %scan3A = arith.constant 0 : i32
    %scan3A_2 = arith.constant 0 : i32
    %scan3A_3 = arith.constant 640 : i32
    %scan3A_4 = arith.addi %scan3A_2, %scan3A_3 : i32
    %scan3A_5 = arith.constant 1 : i32
    scf.for %scan3A_15 = %scan3A_2 to %scan3A_4 step %scan3A_5  : i32 {
      %mul3A_16 = arith.constant 16 : i32
      %mul3A_17 = arith.muli %scan3A_15, %mul3A_16 : i32
      %swap3A = arith.index_cast %mul3A_17 : i32 to index
      %swap3A_18 = tpu.vector_load %arg5[%swap3A] {strides = array<i32>} : memref<10240xf32, #tpu.memory_space<vmem>>, vector<16xf32>,
      tpu.vector_store %arg5[%swap3A], %broadcast_in_dim3A_1 {strides = array<i32>} : memref<10240xf32, #tpu.memory_space<vmem>>, vector<16xf32>,
    }
    %scan3A_6 = arith.constant 640 : i32
    %broadcast_in_dim3A_7 = arith.constant 1.000000e+00 : f32
    %broadcast_in_dim3A_8 = vector.broadcast %broadcast_in_dim3A_7 : f32 to vector<16xf32>
    %scan3A_9 = arith.constant 0 : i32
    %scan3A_10 = arith.constant 0 : i32
    %scan3A_11 = arith.constant 159 : i32
    %scan3A_12 = arith.addi %scan3A_10, %scan3A_11 : i32
    %scan3A_13 = arith.constant 1 : i32
    scf.for %scan3A_15 = %scan3A_10 to %scan3A_12 step %scan3A_13  : i32 {
      %get3A = arith.index_cast %scan3A_15 : i32 to index
      %get3A_16 = arith.constant 0 : index
      %get3A_17 = tpu.vector_load %arg4[%get3A, %get3A_16] {strides = array<i32>} : memref<159x64xi32, #tpu.memory_space<vmem>>, vector<16xi32>,
      tpu.vector_store_idx %arg5[%get3A_17], %broadcast_in_dim3A_8 {add = true} : memref<10240xf32, #tpu.memory_space<vmem>>[vector<16xi32>], vector<16xf32>,
      %get3A_18 = arith.index_cast %scan3A_15 : i32 to index
      %get3A_19 = arith.constant 16 : index
      %get3A_20 = tpu.vector_load %arg4[%get3A_18, %get3A_19] {strides = array<i32>} : memref<159x64xi32, #tpu.memory_space<vmem>>, vector<16xi32>,
      tpu.vector_store_idx %arg5[%get3A_20], %broadcast_in_dim3A_8 {add = true} : memref<10240xf32, #tpu.memory_space<vmem>>[vector<16xi32>], vector<16xf32>,
      %get3A_21 = arith.index_cast %scan3A_15 : i32 to index
      %get3A_22 = arith.constant 32 : index
      %get3A_23 = tpu.vector_load %arg4[%get3A_21, %get3A_22] {strides = array<i32>} : memref<159x64xi32, #tpu.memory_space<vmem>>, vector<16xi32>,
      tpu.vector_store_idx %arg5[%get3A_23], %broadcast_in_dim3A_8 {add = true} : memref<10240xf32, #tpu.memory_space<vmem>>[vector<16xi32>], vector<16xf32>,
      %get3A_24 = arith.index_cast %scan3A_15 : i32 to index
      %get3A_25 = arith.constant 48 : index
      %get3A_26 = tpu.vector_load %arg4[%get3A_24, %get3A_25] {strides = array<i32>} : memref<159x64xi32, #tpu.memory_space<vmem>>, vector<16xi32>,
      tpu.vector_store_idx %arg5[%get3A_26], %broadcast_in_dim3A_8 {add = true} : memref<10240xf32, #tpu.memory_space<vmem>>[vector<16xi32>], vector<16xf32>,
    }
    %scan3A_14 = arith.constant 159 : i32
    "tpu.region"() ({
      %run_scoped3A = tpu.sem_alloc : memref<!tpu.dma_semaphore, #tpu.memory_space<semaphore_mem>>
      %dma_start3A = arith.constant 0 : i32
      %dma_start3A_15 = tpu.memref_slice %arg3[%add3A, %dma_start3A] : memref<32x10240xf32, #tpu.memory_space<hbm>> -> memref<1x10240xf32, #tpu.memory_space<hbm>>
      %dma_start3A_16 = tpu.memref_squeeze %dma_start3A_15 : memref<1x10240xf32, #tpu.memory_space<hbm>> -> memref<10240xf32, #tpu.memory_space<hbm>>
      %dma_start3A_17 = arith.constant 0 : i32
      %dma_start3A_18 = tpu.memref_slice %arg3[%add3A, %dma_start3A_17] : memref<32x10240xf32, #tpu.memory_space<hbm>> -> memref<1x10240xf32, #tpu.memory_space<hbm>>
      %dma_start3A_19 = tpu.memref_squeeze %dma_start3A_18 : memref<1x10240xf32, #tpu.memory_space<hbm>> -> memref<10240xf32, #tpu.memory_space<hbm>>
      tpu.enqueue_dma source(%arg5 : memref<10240xf32, #tpu.memory_space<vmem>>) target(%dma_start3A_19 : memref<10240xf32, #tpu.memory_space<hbm>>) target_semaphore(%run_scoped3A : memref<!tpu.dma_semaphore, #tpu.memory_space<semaphore_mem>>)
      %dma_wait3A = arith.constant 0 : i32
      %dma_wait3A_20 = tpu.memref_slice %arg3[%add3A, %dma_wait3A] : memref<32x10240xf32, #tpu.memory_space<hbm>> -> memref<1x10240xf32, #tpu.memory_space<hbm>>
      %dma_wait3A_21 = tpu.memref_squeeze %dma_wait3A_20 : memref<1x10240xf32, #tpu.memory_space<hbm>> -> memref<10240xf32, #tpu.memory_space<hbm>>
      %dma_wait3A_22 = arith.constant 0 : i32
      %dma_wait3A_23 = tpu.memref_slice %arg3[%add3A, %dma_wait3A_22] : memref<32x10240xf32, #tpu.memory_space<hbm>> -> memref<1x10240xf32, #tpu.memory_space<hbm>>
      %dma_wait3A_24 = tpu.memref_squeeze %dma_wait3A_23 : memref<1x10240xf32, #tpu.memory_space<hbm>> -> memref<10240xf32, #tpu.memory_space<hbm>>
      tpu.wait_dma2 semaphore(%run_scoped3A : memref<!tpu.dma_semaphore, #tpu.memory_space<semaphore_mem>>) src(%arg5 : memref<10240xf32, #tpu.memory_space<vmem>>) dst(%dma_wait3A_24 : memref<10240xf32, #tpu.memory_space<hbm>>)
      tpu.yield
    }) : () -> ()
    return
  }
}

#map = affine_map<(d0, d1) -> (0, 0)>
#map1 = affine_map<(d0, d1) -> (0, 0, 0)>
module attributes {stable_mosaic.version = 14 : i64} {
  func.func @edge_kernel(%arg0: i32, %arg1: i32, %arg2: memref<10240x128xf32, #tpu.memory_space<hbm>>, %arg3: memref<32x159x64xi32, #tpu.memory_space<hbm>>, %arg4: memref<2x10240x128xf32, #tpu.memory_space<hbm>>, %arg5: memref<159x64xi32, #tpu.memory_space<vmem>>, %arg6: memref<3x64xi32, #tpu.memory_space<vmem>>, %arg7: memref<3x64xi32, #tpu.memory_space<vmem>>, %arg8: memref<192x128xf32, #tpu.memory_space<vmem>>, %arg9: memref<10240x128xf32, #tpu.memory_space<vmem_shared>>, %arg10: memref<!tpu.dma_semaphore, #tpu.memory_space<semaphore_mem>>) attributes {dimension_semantics = [#tpu.dimension_semantics<core_parallel>, #tpu.dimension_semantics<subcore_parallel>], iteration_bounds = array<i64: 2, 16>, scalar_prefetch = 0 : i64, scratch_operands = 6 : i64, tpu.core_type = #tpu.core_type<sc_vector_subcore>, window_params = [{transform_indices = #map}, {transform_indices = #map1}, {transform_indices = #map1}]} {
    %mul3A = arith.constant 2 : i32
    %mul3A_0 = arith.muli %arg1, %mul3A : i32
    %add3A = arith.addi %mul3A_0, %arg0 : i32
    %mul3A_1 = arith.constant 640 : i32
    %mul3A_2 = arith.muli %arg1, %mul3A_1 : i32
    %mul3A_3 = arith.constant 640 : i32
    %mul3A_4 = arith.muli %arg1, %mul3A_3 : i32
    "tpu.region"() ({
      %run_scoped3A_293 = tpu.sem_alloc : memref<!tpu.dma_semaphore, #tpu.memory_space<semaphore_mem>>
      %dma_start3A_294 = arith.constant 0 : i32
      %dma_start3A_295 = tpu.memref_slice %arg9[%mul3A_4, %dma_start3A_294] : memref<10240x128xf32, #tpu.memory_space<vmem_shared>> -> memref<640x128xf32, #tpu.memory_space<vmem_shared>>
      %dma_start3A_296 = arith.constant 0 : i32
      %dma_start3A_297 = tpu.memref_slice %arg2[%mul3A_2, %dma_start3A_296] : memref<10240x128xf32, #tpu.memory_space<hbm>> -> memref<640x128xf32, #tpu.memory_space<hbm>>
      tpu.enqueue_dma source(%dma_start3A_297 : memref<640x128xf32, #tpu.memory_space<hbm>>) target(%dma_start3A_295 : memref<640x128xf32, #tpu.memory_space<vmem_shared>>) target_semaphore(%run_scoped3A_293 : memref<!tpu.dma_semaphore, #tpu.memory_space<semaphore_mem>>)
      %dma_wait3A_298 = arith.constant 0 : i32
      %dma_wait3A_299 = tpu.memref_slice %arg9[%mul3A_4, %dma_wait3A_298] : memref<10240x128xf32, #tpu.memory_space<vmem_shared>> -> memref<640x128xf32, #tpu.memory_space<vmem_shared>>
      %dma_wait3A_300 = arith.constant 0 : i32
      %dma_wait3A_301 = tpu.memref_slice %arg2[%mul3A_2, %dma_wait3A_300] : memref<10240x128xf32, #tpu.memory_space<hbm>> -> memref<640x128xf32, #tpu.memory_space<hbm>>
      tpu.wait_dma2 semaphore(%run_scoped3A_293 : memref<!tpu.dma_semaphore, #tpu.memory_space<semaphore_mem>>) src(%dma_wait3A_301 : memref<640x128xf32, #tpu.memory_space<hbm>>) dst(%dma_wait3A_299 : memref<640x128xf32, #tpu.memory_space<vmem_shared>>)
      tpu.yield
    }) : () -> ()
    "tpu.region"() ({
      %run_scoped3A_293 = tpu.sem_alloc : memref<!tpu.dma_semaphore, #tpu.memory_space<semaphore_mem>>
      %dma_start3A_294 = arith.constant 0 : i32
      %dma_start3A_295 = arith.constant 0 : i32
      %dma_start3A_296 = tpu.memref_slice %arg3[%add3A, %dma_start3A_294, %dma_start3A_295] : memref<32x159x64xi32, #tpu.memory_space<hbm>> -> memref<1x159x64xi32, #tpu.memory_space<hbm>>
      %dma_start3A_297 = tpu.memref_squeeze %dma_start3A_296 : memref<1x159x64xi32, #tpu.memory_space<hbm>> -> memref<159x64xi32, #tpu.memory_space<hbm>>
      %dma_start3A_298 = arith.constant 0 : i32
      %dma_start3A_299 = arith.constant 0 : i32
      %dma_start3A_300 = tpu.memref_slice %arg3[%add3A, %dma_start3A_298, %dma_start3A_299] : memref<32x159x64xi32, #tpu.memory_space<hbm>> -> memref<1x159x64xi32, #tpu.memory_space<hbm>>
      %dma_start3A_301 = tpu.memref_squeeze %dma_start3A_300 : memref<1x159x64xi32, #tpu.memory_space<hbm>> -> memref<159x64xi32, #tpu.memory_space<hbm>>
      tpu.enqueue_dma source(%dma_start3A_301 : memref<159x64xi32, #tpu.memory_space<hbm>>) target(%arg5 : memref<159x64xi32, #tpu.memory_space<vmem>>) target_semaphore(%run_scoped3A_293 : memref<!tpu.dma_semaphore, #tpu.memory_space<semaphore_mem>>)
      %dma_wait3A_302 = arith.constant 0 : i32
      %dma_wait3A_303 = arith.constant 0 : i32
      %dma_wait3A_304 = tpu.memref_slice %arg3[%add3A, %dma_wait3A_302, %dma_wait3A_303] : memref<32x159x64xi32, #tpu.memory_space<hbm>> -> memref<1x159x64xi32, #tpu.memory_space<hbm>>
      %dma_wait3A_305 = tpu.memref_squeeze %dma_wait3A_304 : memref<1x159x64xi32, #tpu.memory_space<hbm>> -> memref<159x64xi32, #tpu.memory_space<hbm>>
      %dma_wait3A_306 = arith.constant 0 : i32
      %dma_wait3A_307 = arith.constant 0 : i32
      %dma_wait3A_308 = tpu.memref_slice %arg3[%add3A, %dma_wait3A_306, %dma_wait3A_307] : memref<32x159x64xi32, #tpu.memory_space<hbm>> -> memref<1x159x64xi32, #tpu.memory_space<hbm>>
      %dma_wait3A_309 = tpu.memref_squeeze %dma_wait3A_308 : memref<1x159x64xi32, #tpu.memory_space<hbm>> -> memref<159x64xi32, #tpu.memory_space<hbm>>
      tpu.wait_dma2 semaphore(%run_scoped3A_293 : memref<!tpu.dma_semaphore, #tpu.memory_space<semaphore_mem>>) src(%dma_wait3A_309 : memref<159x64xi32, #tpu.memory_space<hbm>>) dst(%arg5 : memref<159x64xi32, #tpu.memory_space<vmem>>)
      tpu.yield
    }) : () -> ()
    %barrier3A = arith.constant 0 : index
    tpu.barrier barrier_id(%barrier3A)
    %get3A = arith.constant 0 : i32
    %get3A_5 = arith.index_cast %get3A : i32 to index
    %get3A_6 = arith.constant 0 : index
    %get3A_7 = tpu.vector_load %arg5[%get3A_5, %get3A_6] {strides = array<i32>} : memref<159x64xi32, #tpu.memory_space<vmem>>, vector<16xi32>,
    %and3A = arith.constant 65535 : i32
    %and3A_8 = vector.broadcast %and3A : i32 to vector<16xi32>
    %and3A_9 = arith.andi %get3A_7, %and3A_8 : vector<16xi32>
    %swap3A = arith.constant 0 : i32
    %swap3A_10 = arith.index_cast %swap3A : i32 to index
    %swap3A_11 = arith.constant 0 : index
    %swap3A_12 = tpu.vector_load %arg6[%swap3A_10, %swap3A_11] {strides = array<i32>} : memref<3x64xi32, #tpu.memory_space<vmem>>, vector<16xi32>,
    tpu.vector_store %arg6[%swap3A_10, %swap3A_11], %and3A_9 {strides = array<i32>} : memref<3x64xi32, #tpu.memory_space<vmem>>, vector<16xi32>,
    %shift_right_arithmetic3A = arith.constant 16 : i32
    %shift_right_arithmetic3A_13 = vector.broadcast %shift_right_arithmetic3A : i32 to vector<16xi32>
    %shift_right_arithmetic3A_14 = arith.shrsi %get3A_7, %shift_right_arithmetic3A_13 : vector<16xi32>
    %swap3A_15 = arith.constant 0 : i32
    %swap3A_16 = arith.index_cast %swap3A_15 : i32 to index
    %swap3A_17 = arith.constant 0 : index
    %swap3A_18 = tpu.vector_load %arg7[%swap3A_16, %swap3A_17] {strides = array<i32>} : memref<3x64xi32, #tpu.memory_space<vmem>>, vector<16xi32>,
    tpu.vector_store %arg7[%swap3A_16, %swap3A_17], %shift_right_arithmetic3A_14 {strides = array<i32>} : memref<3x64xi32, #tpu.memory_space<vmem>>, vector<16xi32>,
    %get3A_19 = arith.constant 0 : i32
    %get3A_20 = arith.index_cast %get3A_19 : i32 to index
    %get3A_21 = arith.constant 16 : index
    %get3A_22 = tpu.vector_load %arg5[%get3A_20, %get3A_21] {strides = array<i32>} : memref<159x64xi32, #tpu.memory_space<vmem>>, vector<16xi32>,
    %and3A_23 = arith.constant 65535 : i32
    %and3A_24 = vector.broadcast %and3A_23 : i32 to vector<16xi32>
    %and3A_25 = arith.andi %get3A_22, %and3A_24 : vector<16xi32>
    %swap3A_26 = arith.constant 0 : i32
    %swap3A_27 = arith.index_cast %swap3A_26 : i32 to index
    %swap3A_28 = arith.constant 16 : index
    %swap3A_29 = tpu.vector_load %arg6[%swap3A_27, %swap3A_28] {strides = array<i32>} : memref<3x64xi32, #tpu.memory_space<vmem>>, vector<16xi32>,
    tpu.vector_store %arg6[%swap3A_27, %swap3A_28], %and3A_25 {strides = array<i32>} : memref<3x64xi32, #tpu.memory_space<vmem>>, vector<16xi32>,
    %shift_right_arithmetic3A_30 = arith.constant 16 : i32
    %shift_right_arithmetic3A_31 = vector.broadcast %shift_right_arithmetic3A_30 : i32 to vector<16xi32>
    %shift_right_arithmetic3A_32 = arith.shrsi %get3A_22, %shift_right_arithmetic3A_31 : vector<16xi32>
    %swap3A_33 = arith.constant 0 : i32
    %swap3A_34 = arith.index_cast %swap3A_33 : i32 to index
    %swap3A_35 = arith.constant 16 : index
    %swap3A_36 = tpu.vector_load %arg7[%swap3A_34, %swap3A_35] {strides = array<i32>} : memref<3x64xi32, #tpu.memory_space<vmem>>, vector<16xi32>,
    tpu.vector_store %arg7[%swap3A_34, %swap3A_35], %shift_right_arithmetic3A_32 {strides = array<i32>} : memref<3x64xi32, #tpu.memory_space<vmem>>, vector<16xi32>,
    %get3A_37 = arith.constant 0 : i32
    %get3A_38 = arith.index_cast %get3A_37 : i32 to index
    %get3A_39 = arith.constant 32 : index
    %get3A_40 = tpu.vector_load %arg5[%get3A_38, %get3A_39] {strides = array<i32>} : memref<159x64xi32, #tpu.memory_space<vmem>>, vector<16xi32>,
    %and3A_41 = arith.constant 65535 : i32
    %and3A_42 = vector.broadcast %and3A_41 : i32 to vector<16xi32>
    %and3A_43 = arith.andi %get3A_40, %and3A_42 : vector<16xi32>
    %swap3A_44 = arith.constant 0 : i32
    %swap3A_45 = arith.index_cast %swap3A_44 : i32 to index
    %swap3A_46 = arith.constant 32 : index
    %swap3A_47 = tpu.vector_load %arg6[%swap3A_45, %swap3A_46] {strides = array<i32>} : memref<3x64xi32, #tpu.memory_space<vmem>>, vector<16xi32>,
    tpu.vector_store %arg6[%swap3A_45, %swap3A_46], %and3A_43 {strides = array<i32>} : memref<3x64xi32, #tpu.memory_space<vmem>>, vector<16xi32>,
    %shift_right_arithmetic3A_48 = arith.constant 16 : i32
    %shift_right_arithmetic3A_49 = vector.broadcast %shift_right_arithmetic3A_48 : i32 to vector<16xi32>
    %shift_right_arithmetic3A_50 = arith.shrsi %get3A_40, %shift_right_arithmetic3A_49 : vector<16xi32>
    %swap3A_51 = arith.constant 0 : i32
    %swap3A_52 = arith.index_cast %swap3A_51 : i32 to index
    %swap3A_53 = arith.constant 32 : index
    %swap3A_54 = tpu.vector_load %arg7[%swap3A_52, %swap3A_53] {strides = array<i32>} : memref<3x64xi32, #tpu.memory_space<vmem>>, vector<16xi32>,
    tpu.vector_store %arg7[%swap3A_52, %swap3A_53], %shift_right_arithmetic3A_50 {strides = array<i32>} : memref<3x64xi32, #tpu.memory_space<vmem>>, vector<16xi32>,
    %get3A_55 = arith.constant 0 : i32
    %get3A_56 = arith.index_cast %get3A_55 : i32 to index
    %get3A_57 = arith.constant 48 : index
    %get3A_58 = tpu.vector_load %arg5[%get3A_56, %get3A_57] {strides = array<i32>} : memref<159x64xi32, #tpu.memory_space<vmem>>, vector<16xi32>,
    %and3A_59 = arith.constant 65535 : i32
    %and3A_60 = vector.broadcast %and3A_59 : i32 to vector<16xi32>
    %and3A_61 = arith.andi %get3A_58, %and3A_60 : vector<16xi32>
    %swap3A_62 = arith.constant 0 : i32
    %swap3A_63 = arith.index_cast %swap3A_62 : i32 to index
    %swap3A_64 = arith.constant 48 : index
    %swap3A_65 = tpu.vector_load %arg6[%swap3A_63, %swap3A_64] {strides = array<i32>} : memref<3x64xi32, #tpu.memory_space<vmem>>, vector<16xi32>,
    tpu.vector_store %arg6[%swap3A_63, %swap3A_64], %and3A_61 {strides = array<i32>} : memref<3x64xi32, #tpu.memory_space<vmem>>, vector<16xi32>,
    %shift_right_arithmetic3A_66 = arith.constant 16 : i32
    %shift_right_arithmetic3A_67 = vector.broadcast %shift_right_arithmetic3A_66 : i32 to vector<16xi32>
    %shift_right_arithmetic3A_68 = arith.shrsi %get3A_58, %shift_right_arithmetic3A_67 : vector<16xi32>
    %swap3A_69 = arith.constant 0 : i32
    %swap3A_70 = arith.index_cast %swap3A_69 : i32 to index
    %swap3A_71 = arith.constant 48 : index
    %swap3A_72 = tpu.vector_load %arg7[%swap3A_70, %swap3A_71] {strides = array<i32>} : memref<3x64xi32, #tpu.memory_space<vmem>>, vector<16xi32>,
    tpu.vector_store %arg7[%swap3A_70, %swap3A_71], %shift_right_arithmetic3A_68 {strides = array<i32>} : memref<3x64xi32, #tpu.memory_space<vmem>>, vector<16xi32>,
    %dma_start3A = arith.constant 0 : i32
    %dma_start3A_73 = arith.constant 0 : i32
    %dma_start3A_74 = arith.constant 0 : i32
    %dma_start3A_75 = tpu.memref_slice %arg8[%dma_start3A_73, %dma_start3A_74] : memref<192x128xf32, #tpu.memory_space<vmem>> -> memref<64x128xf32, #tpu.memory_space<vmem>>
    %dma_start3A_76 = arith.constant 0 : i32
    %dma_start3A_77 = tpu.memref_slice %arg6[%dma_start3A, %dma_start3A_76] : memref<3x64xi32, #tpu.memory_space<vmem>> -> memref<1x64xi32, #tpu.memory_space<vmem>>
    %dma_start3A_78 = tpu.memref_squeeze %dma_start3A_77 : memref<1x64xi32, #tpu.memory_space<vmem>> -> memref<64xi32, #tpu.memory_space<vmem>>
    %dma_start3A_79 = arith.constant 0 : i32
    %dma_start3A_80 = arith.constant 0 : i32
    %dma_start3A_81 = tpu.memref_slice %arg2[%dma_start3A_79, %dma_start3A_80] : memref<10240x128xf32, #tpu.memory_space<hbm>> -> memref<10240x128xf32, #tpu.memory_space<hbm>>
    tpu.enqueue_indirect_dma source(%dma_start3A_81 : memref<10240x128xf32, #tpu.memory_space<hbm>>) target(%dma_start3A_75 : memref<64x128xf32, #tpu.memory_space<vmem>>) offsets(%dma_start3A_78 : memref<64xi32, #tpu.memory_space<vmem>>) semaphore(%arg10 : memref<!tpu.dma_semaphore, #tpu.memory_space<semaphore_mem>>)
    %get3A_82 = arith.constant 1 : i32
    %get3A_83 = arith.index_cast %get3A_82 : i32 to index
    %get3A_84 = arith.constant 0 : index
    %get3A_85 = tpu.vector_load %arg5[%get3A_83, %get3A_84] {strides = array<i32>} : memref<159x64xi32, #tpu.memory_space<vmem>>, vector<16xi32>,
    %and3A_86 = arith.constant 65535 : i32
    %and3A_87 = vector.broadcast %and3A_86 : i32 to vector<16xi32>
    %and3A_88 = arith.andi %get3A_85, %and3A_87 : vector<16xi32>
    %swap3A_89 = arith.constant 1 : i32
    %swap3A_90 = arith.index_cast %swap3A_89 : i32 to index
    %swap3A_91 = arith.constant 0 : index
    %swap3A_92 = tpu.vector_load %arg6[%swap3A_90, %swap3A_91] {strides = array<i32>} : memref<3x64xi32, #tpu.memory_space<vmem>>, vector<16xi32>,
    tpu.vector_store %arg6[%swap3A_90, %swap3A_91], %and3A_88 {strides = array<i32>} : memref<3x64xi32, #tpu.memory_space<vmem>>, vector<16xi32>,
    %shift_right_arithmetic3A_93 = arith.constant 16 : i32
    %shift_right_arithmetic3A_94 = vector.broadcast %shift_right_arithmetic3A_93 : i32 to vector<16xi32>
    %shift_right_arithmetic3A_95 = arith.shrsi %get3A_85, %shift_right_arithmetic3A_94 : vector<16xi32>
    %swap3A_96 = arith.constant 1 : i32
    %swap3A_97 = arith.index_cast %swap3A_96 : i32 to index
    %swap3A_98 = arith.constant 0 : index
    %swap3A_99 = tpu.vector_load %arg7[%swap3A_97, %swap3A_98] {strides = array<i32>} : memref<3x64xi32, #tpu.memory_space<vmem>>, vector<16xi32>,
    tpu.vector_store %arg7[%swap3A_97, %swap3A_98], %shift_right_arithmetic3A_95 {strides = array<i32>} : memref<3x64xi32, #tpu.memory_space<vmem>>, vector<16xi32>,
    %get3A_100 = arith.constant 1 : i32
    %get3A_101 = arith.index_cast %get3A_100 : i32 to index
    %get3A_102 = arith.constant 16 : index
    %get3A_103 = tpu.vector_load %arg5[%get3A_101, %get3A_102] {strides = array<i32>} : memref<159x64xi32, #tpu.memory_space<vmem>>, vector<16xi32>,
    %and3A_104 = arith.constant 65535 : i32
    %and3A_105 = vector.broadcast %and3A_104 : i32 to vector<16xi32>
    %and3A_106 = arith.andi %get3A_103, %and3A_105 : vector<16xi32>
    %swap3A_107 = arith.constant 1 : i32
    %swap3A_108 = arith.index_cast %swap3A_107 : i32 to index
    %swap3A_109 = arith.constant 16 : index
    %swap3A_110 = tpu.vector_load %arg6[%swap3A_108, %swap3A_109] {strides = array<i32>} : memref<3x64xi32, #tpu.memory_space<vmem>>, vector<16xi32>,
    tpu.vector_store %arg6[%swap3A_108, %swap3A_109], %and3A_106 {strides = array<i32>} : memref<3x64xi32, #tpu.memory_space<vmem>>, vector<16xi32>,
    %shift_right_arithmetic3A_111 = arith.constant 16 : i32
    %shift_right_arithmetic3A_112 = vector.broadcast %shift_right_arithmetic3A_111 : i32 to vector<16xi32>
    %shift_right_arithmetic3A_113 = arith.shrsi %get3A_103, %shift_right_arithmetic3A_112 : vector<16xi32>
    %swap3A_114 = arith.constant 1 : i32
    %swap3A_115 = arith.index_cast %swap3A_114 : i32 to index
    %swap3A_116 = arith.constant 16 : index
    %swap3A_117 = tpu.vector_load %arg7[%swap3A_115, %swap3A_116] {strides = array<i32>} : memref<3x64xi32, #tpu.memory_space<vmem>>, vector<16xi32>,
    tpu.vector_store %arg7[%swap3A_115, %swap3A_116], %shift_right_arithmetic3A_113 {strides = array<i32>} : memref<3x64xi32, #tpu.memory_space<vmem>>, vector<16xi32>,
    %get3A_118 = arith.constant 1 : i32
    %get3A_119 = arith.index_cast %get3A_118 : i32 to index
    %get3A_120 = arith.constant 32 : index
    %get3A_121 = tpu.vector_load %arg5[%get3A_119, %get3A_120] {strides = array<i32>} : memref<159x64xi32, #tpu.memory_space<vmem>>, vector<16xi32>,
    %and3A_122 = arith.constant 65535 : i32
    %and3A_123 = vector.broadcast %and3A_122 : i32 to vector<16xi32>
    %and3A_124 = arith.andi %get3A_121, %and3A_123 : vector<16xi32>
    %swap3A_125 = arith.constant 1 : i32
    %swap3A_126 = arith.index_cast %swap3A_125 : i32 to index
    %swap3A_127 = arith.constant 32 : index
    %swap3A_128 = tpu.vector_load %arg6[%swap3A_126, %swap3A_127] {strides = array<i32>} : memref<3x64xi32, #tpu.memory_space<vmem>>, vector<16xi32>,
    tpu.vector_store %arg6[%swap3A_126, %swap3A_127], %and3A_124 {strides = array<i32>} : memref<3x64xi32, #tpu.memory_space<vmem>>, vector<16xi32>,
    %shift_right_arithmetic3A_129 = arith.constant 16 : i32
    %shift_right_arithmetic3A_130 = vector.broadcast %shift_right_arithmetic3A_129 : i32 to vector<16xi32>
    %shift_right_arithmetic3A_131 = arith.shrsi %get3A_121, %shift_right_arithmetic3A_130 : vector<16xi32>
    %swap3A_132 = arith.constant 1 : i32
    %swap3A_133 = arith.index_cast %swap3A_132 : i32 to index
    %swap3A_134 = arith.constant 32 : index
    %swap3A_135 = tpu.vector_load %arg7[%swap3A_133, %swap3A_134] {strides = array<i32>} : memref<3x64xi32, #tpu.memory_space<vmem>>, vector<16xi32>,
    tpu.vector_store %arg7[%swap3A_133, %swap3A_134], %shift_right_arithmetic3A_131 {strides = array<i32>} : memref<3x64xi32, #tpu.memory_space<vmem>>, vector<16xi32>,
    %get3A_136 = arith.constant 1 : i32
    %get3A_137 = arith.index_cast %get3A_136 : i32 to index
    %get3A_138 = arith.constant 48 : index
    %get3A_139 = tpu.vector_load %arg5[%get3A_137, %get3A_138] {strides = array<i32>} : memref<159x64xi32, #tpu.memory_space<vmem>>, vector<16xi32>,
    %and3A_140 = arith.constant 65535 : i32
    %and3A_141 = vector.broadcast %and3A_140 : i32 to vector<16xi32>
    %and3A_142 = arith.andi %get3A_139, %and3A_141 : vector<16xi32>
    %swap3A_143 = arith.constant 1 : i32
    %swap3A_144 = arith.index_cast %swap3A_143 : i32 to index
    %swap3A_145 = arith.constant 48 : index
    %swap3A_146 = tpu.vector_load %arg6[%swap3A_144, %swap3A_145] {strides = array<i32>} : memref<3x64xi32, #tpu.memory_space<vmem>>, vector<16xi32>,
    tpu.vector_store %arg6[%swap3A_144, %swap3A_145], %and3A_142 {strides = array<i32>} : memref<3x64xi32, #tpu.memory_space<vmem>>, vector<16xi32>,
    %shift_right_arithmetic3A_147 = arith.constant 16 : i32
    %shift_right_arithmetic3A_148 = vector.broadcast %shift_right_arithmetic3A_147 : i32 to vector<16xi32>
    %shift_right_arithmetic3A_149 = arith.shrsi %get3A_139, %shift_right_arithmetic3A_148 : vector<16xi32>
    %swap3A_150 = arith.constant 1 : i32
    %swap3A_151 = arith.index_cast %swap3A_150 : i32 to index
    %swap3A_152 = arith.constant 48 : index
    %swap3A_153 = tpu.vector_load %arg7[%swap3A_151, %swap3A_152] {strides = array<i32>} : memref<3x64xi32, #tpu.memory_space<vmem>>, vector<16xi32>,
    tpu.vector_store %arg7[%swap3A_151, %swap3A_152], %shift_right_arithmetic3A_149 {strides = array<i32>} : memref<3x64xi32, #tpu.memory_space<vmem>>, vector<16xi32>,
    %dma_start3A_154 = arith.constant 1 : i32
    %dma_start3A_155 = arith.constant 64 : i32
    %dma_start3A_156 = arith.constant 0 : i32
    %dma_start3A_157 = tpu.memref_slice %arg8[%dma_start3A_155, %dma_start3A_156] : memref<192x128xf32, #tpu.memory_space<vmem>> -> memref<64x128xf32, #tpu.memory_space<vmem>>
    %dma_start3A_158 = arith.constant 0 : i32
    %dma_start3A_159 = tpu.memref_slice %arg6[%dma_start3A_154, %dma_start3A_158] : memref<3x64xi32, #tpu.memory_space<vmem>> -> memref<1x64xi32, #tpu.memory_space<vmem>>
    %dma_start3A_160 = tpu.memref_squeeze %dma_start3A_159 : memref<1x64xi32, #tpu.memory_space<vmem>> -> memref<64xi32, #tpu.memory_space<vmem>>
    %dma_start3A_161 = arith.constant 0 : i32
    %dma_start3A_162 = arith.constant 0 : i32
    %dma_start3A_163 = tpu.memref_slice %arg2[%dma_start3A_161, %dma_start3A_162] : memref<10240x128xf32, #tpu.memory_space<hbm>> -> memref<10240x128xf32, #tpu.memory_space<hbm>>
    tpu.enqueue_indirect_dma source(%dma_start3A_163 : memref<10240x128xf32, #tpu.memory_space<hbm>>) target(%dma_start3A_157 : memref<64x128xf32, #tpu.memory_space<vmem>>) offsets(%dma_start3A_160 : memref<64xi32, #tpu.memory_space<vmem>>) semaphore(%arg10 : memref<!tpu.dma_semaphore, #tpu.memory_space<semaphore_mem>>)
    %get3A_164 = arith.constant 2 : i32
    %get3A_165 = arith.index_cast %get3A_164 : i32 to index
    %get3A_166 = arith.constant 0 : index
    %get3A_167 = tpu.vector_load %arg5[%get3A_165, %get3A_166] {strides = array<i32>} : memref<159x64xi32, #tpu.memory_space<vmem>>, vector<16xi32>,
    %and3A_168 = arith.constant 65535 : i32
    %and3A_169 = vector.broadcast %and3A_168 : i32 to vector<16xi32>
    %and3A_170 = arith.andi %get3A_167, %and3A_169 : vector<16xi32>
    %swap3A_171 = arith.constant 2 : i32
    %swap3A_172 = arith.index_cast %swap3A_171 : i32 to index
    %swap3A_173 = arith.constant 0 : index
    %swap3A_174 = tpu.vector_load %arg6[%swap3A_172, %swap3A_173] {strides = array<i32>} : memref<3x64xi32, #tpu.memory_space<vmem>>, vector<16xi32>,
    tpu.vector_store %arg6[%swap3A_172, %swap3A_173], %and3A_170 {strides = array<i32>} : memref<3x64xi32, #tpu.memory_space<vmem>>, vector<16xi32>,
    %shift_right_arithmetic3A_175 = arith.constant 16 : i32
    %shift_right_arithmetic3A_176 = vector.broadcast %shift_right_arithmetic3A_175 : i32 to vector<16xi32>
    %shift_right_arithmetic3A_177 = arith.shrsi %get3A_167, %shift_right_arithmetic3A_176 : vector<16xi32>
    %swap3A_178 = arith.constant 2 : i32
    %swap3A_179 = arith.index_cast %swap3A_178 : i32 to index
    %swap3A_180 = arith.constant 0 : index
    %swap3A_181 = tpu.vector_load %arg7[%swap3A_179, %swap3A_180] {strides = array<i32>} : memref<3x64xi32, #tpu.memory_space<vmem>>, vector<16xi32>,
    tpu.vector_store %arg7[%swap3A_179, %swap3A_180], %shift_right_arithmetic3A_177 {strides = array<i32>} : memref<3x64xi32, #tpu.memory_space<vmem>>, vector<16xi32>,
    %get3A_182 = arith.constant 2 : i32
    %get3A_183 = arith.index_cast %get3A_182 : i32 to index
    %get3A_184 = arith.constant 16 : index
    %get3A_185 = tpu.vector_load %arg5[%get3A_183, %get3A_184] {strides = array<i32>} : memref<159x64xi32, #tpu.memory_space<vmem>>, vector<16xi32>,
    %and3A_186 = arith.constant 65535 : i32
    %and3A_187 = vector.broadcast %and3A_186 : i32 to vector<16xi32>
    %and3A_188 = arith.andi %get3A_185, %and3A_187 : vector<16xi32>
    %swap3A_189 = arith.constant 2 : i32
    %swap3A_190 = arith.index_cast %swap3A_189 : i32 to index
    %swap3A_191 = arith.constant 16 : index
    %swap3A_192 = tpu.vector_load %arg6[%swap3A_190, %swap3A_191] {strides = array<i32>} : memref<3x64xi32, #tpu.memory_space<vmem>>, vector<16xi32>,
    tpu.vector_store %arg6[%swap3A_190, %swap3A_191], %and3A_188 {strides = array<i32>} : memref<3x64xi32, #tpu.memory_space<vmem>>, vector<16xi32>,
    %shift_right_arithmetic3A_193 = arith.constant 16 : i32
    %shift_right_arithmetic3A_194 = vector.broadcast %shift_right_arithmetic3A_193 : i32 to vector<16xi32>
    %shift_right_arithmetic3A_195 = arith.shrsi %get3A_185, %shift_right_arithmetic3A_194 : vector<16xi32>
    %swap3A_196 = arith.constant 2 : i32
    %swap3A_197 = arith.index_cast %swap3A_196 : i32 to index
    %swap3A_198 = arith.constant 16 : index
    %swap3A_199 = tpu.vector_load %arg7[%swap3A_197, %swap3A_198] {strides = array<i32>} : memref<3x64xi32, #tpu.memory_space<vmem>>, vector<16xi32>,
    tpu.vector_store %arg7[%swap3A_197, %swap3A_198], %shift_right_arithmetic3A_195 {strides = array<i32>} : memref<3x64xi32, #tpu.memory_space<vmem>>, vector<16xi32>,
    %get3A_200 = arith.constant 2 : i32
    %get3A_201 = arith.index_cast %get3A_200 : i32 to index
    %get3A_202 = arith.constant 32 : index
    %get3A_203 = tpu.vector_load %arg5[%get3A_201, %get3A_202] {strides = array<i32>} : memref<159x64xi32, #tpu.memory_space<vmem>>, vector<16xi32>,
    %and3A_204 = arith.constant 65535 : i32
    %and3A_205 = vector.broadcast %and3A_204 : i32 to vector<16xi32>
    %and3A_206 = arith.andi %get3A_203, %and3A_205 : vector<16xi32>
    %swap3A_207 = arith.constant 2 : i32
    %swap3A_208 = arith.index_cast %swap3A_207 : i32 to index
    %swap3A_209 = arith.constant 32 : index
    %swap3A_210 = tpu.vector_load %arg6[%swap3A_208, %swap3A_209] {strides = array<i32>} : memref<3x64xi32, #tpu.memory_space<vmem>>, vector<16xi32>,
    tpu.vector_store %arg6[%swap3A_208, %swap3A_209], %and3A_206 {strides = array<i32>} : memref<3x64xi32, #tpu.memory_space<vmem>>, vector<16xi32>,
    %shift_right_arithmetic3A_211 = arith.constant 16 : i32
    %shift_right_arithmetic3A_212 = vector.broadcast %shift_right_arithmetic3A_211 : i32 to vector<16xi32>
    %shift_right_arithmetic3A_213 = arith.shrsi %get3A_203, %shift_right_arithmetic3A_212 : vector<16xi32>
    %swap3A_214 = arith.constant 2 : i32
    %swap3A_215 = arith.index_cast %swap3A_214 : i32 to index
    %swap3A_216 = arith.constant 32 : index
    %swap3A_217 = tpu.vector_load %arg7[%swap3A_215, %swap3A_216] {strides = array<i32>} : memref<3x64xi32, #tpu.memory_space<vmem>>, vector<16xi32>,
    tpu.vector_store %arg7[%swap3A_215, %swap3A_216], %shift_right_arithmetic3A_213 {strides = array<i32>} : memref<3x64xi32, #tpu.memory_space<vmem>>, vector<16xi32>,
    %get3A_218 = arith.constant 2 : i32
    %get3A_219 = arith.index_cast %get3A_218 : i32 to index
    %get3A_220 = arith.constant 48 : index
    %get3A_221 = tpu.vector_load %arg5[%get3A_219, %get3A_220] {strides = array<i32>} : memref<159x64xi32, #tpu.memory_space<vmem>>, vector<16xi32>,
    %and3A_222 = arith.constant 65535 : i32
    %and3A_223 = vector.broadcast %and3A_222 : i32 to vector<16xi32>
    %and3A_224 = arith.andi %get3A_221, %and3A_223 : vector<16xi32>
    %swap3A_225 = arith.constant 2 : i32
    %swap3A_226 = arith.index_cast %swap3A_225 : i32 to index
    %swap3A_227 = arith.constant 48 : index
    %swap3A_228 = tpu.vector_load %arg6[%swap3A_226, %swap3A_227] {strides = array<i32>} : memref<3x64xi32, #tpu.memory_space<vmem>>, vector<16xi32>,
    tpu.vector_store %arg6[%swap3A_226, %swap3A_227], %and3A_224 {strides = array<i32>} : memref<3x64xi32, #tpu.memory_space<vmem>>, vector<16xi32>,
    %shift_right_arithmetic3A_229 = arith.constant 16 : i32
    %shift_right_arithmetic3A_230 = vector.broadcast %shift_right_arithmetic3A_229 : i32 to vector<16xi32>
    %shift_right_arithmetic3A_231 = arith.shrsi %get3A_221, %shift_right_arithmetic3A_230 : vector<16xi32>
    %swap3A_232 = arith.constant 2 : i32
    %swap3A_233 = arith.index_cast %swap3A_232 : i32 to index
    %swap3A_234 = arith.constant 48 : index
    %swap3A_235 = tpu.vector_load %arg7[%swap3A_233, %swap3A_234] {strides = array<i32>} : memref<3x64xi32, #tpu.memory_space<vmem>>, vector<16xi32>,
    tpu.vector_store %arg7[%swap3A_233, %swap3A_234], %shift_right_arithmetic3A_231 {strides = array<i32>} : memref<3x64xi32, #tpu.memory_space<vmem>>, vector<16xi32>,
    %dma_start3A_236 = arith.constant 2 : i32
    %dma_start3A_237 = arith.constant 128 : i32
    %dma_start3A_238 = arith.constant 0 : i32
    %dma_start3A_239 = tpu.memref_slice %arg8[%dma_start3A_237, %dma_start3A_238] : memref<192x128xf32, #tpu.memory_space<vmem>> -> memref<64x128xf32, #tpu.memory_space<vmem>>
    %dma_start3A_240 = arith.constant 0 : i32
    %dma_start3A_241 = tpu.memref_slice %arg6[%dma_start3A_236, %dma_start3A_240] : memref<3x64xi32, #tpu.memory_space<vmem>> -> memref<1x64xi32, #tpu.memory_space<vmem>>
    %dma_start3A_242 = tpu.memref_squeeze %dma_start3A_241 : memref<1x64xi32, #tpu.memory_space<vmem>> -> memref<64xi32, #tpu.memory_space<vmem>>
    %dma_start3A_243 = arith.constant 0 : i32
    %dma_start3A_244 = arith.constant 0 : i32
    %dma_start3A_245 = tpu.memref_slice %arg2[%dma_start3A_243, %dma_start3A_244] : memref<10240x128xf32, #tpu.memory_space<hbm>> -> memref<10240x128xf32, #tpu.memory_space<hbm>>
    tpu.enqueue_indirect_dma source(%dma_start3A_245 : memref<10240x128xf32, #tpu.memory_space<hbm>>) target(%dma_start3A_239 : memref<64x128xf32, #tpu.memory_space<vmem>>) offsets(%dma_start3A_242 : memref<64xi32, #tpu.memory_space<vmem>>) semaphore(%arg10 : memref<!tpu.dma_semaphore, #tpu.memory_space<semaphore_mem>>)
    %scan3A = arith.constant 0 : i32
    %scan3A_246 = arith.constant 0 : i32
    %scan3A_247 = arith.constant 52 : i32
    %scan3A_248 = arith.addi %scan3A_246, %scan3A_247 : i32
    %scan3A_249 = arith.constant 1 : i32
    scf.for %scan3A_293 = %scan3A_246 to %scan3A_248 step %scan3A_249  : i32 {
      %mul3A_294 = arith.constant 3 : i32
      %mul3A_295 = arith.muli %scan3A_293, %mul3A_294 : i32
      %add3A_296 = arith.constant 0 : i32
      %add3A_297 = arith.addi %mul3A_295, %add3A_296 : i32
      %dma_wait3A_298 = arith.constant 0 : i32
      %dma_wait3A_299 = arith.constant 0 : i32
      %dma_wait3A_300 = tpu.memref_slice %arg8[%dma_wait3A_298, %dma_wait3A_299] : memref<192x128xf32, #tpu.memory_space<vmem>> -> memref<64x128xf32, #tpu.memory_space<vmem>>
      %dma_wait3A_301 = arith.constant 0 : i32
      %dma_wait3A_302 = arith.constant 0 : i32
      %dma_wait3A_303 = tpu.memref_slice %arg2[%dma_wait3A_301, %dma_wait3A_302] : memref<10240x128xf32, #tpu.memory_space<hbm>> -> memref<64x128xf32, #tpu.memory_space<hbm>>
      %dma_wait3A_304 = arith.constant 0 : i32
      %dma_wait3A_305 = arith.constant 0 : i32
      %dma_wait3A_306 = tpu.memref_slice %arg8[%dma_wait3A_304, %dma_wait3A_305] : memref<192x128xf32, #tpu.memory_space<vmem>> -> memref<64x128xf32, #tpu.memory_space<vmem>>
      %dma_wait3A_307 = arith.constant 0 : i32
      %dma_wait3A_308 = arith.constant 0 : i32
      %dma_wait3A_309 = tpu.memref_slice %arg2[%dma_wait3A_307, %dma_wait3A_308] : memref<10240x128xf32, #tpu.memory_space<hbm>> -> memref<64x128xf32, #tpu.memory_space<hbm>>
      tpu.wait_dma2 semaphore(%arg10 : memref<!tpu.dma_semaphore, #tpu.memory_space<semaphore_mem>>) src(%dma_wait3A_309 : memref<64x128xf32, #tpu.memory_space<hbm>>) dst(%dma_wait3A_306 : memref<64x128xf32, #tpu.memory_space<vmem>>)
      %run_scoped3A_310 = arith.constant 0 : i32
      "tpu.region"() ({
        %run_scoped3A_585 = tpu.sem_alloc : memref<!tpu.dma_semaphore, #tpu.memory_space<semaphore_mem>>
        %dma_start3A_586 = arith.constant 0 : i32
        %dma_start3A_587 = arith.constant 0 : i32
        %dma_start3A_588 = tpu.memref_slice %arg8[%dma_start3A_586, %dma_start3A_587] : memref<192x128xf32, #tpu.memory_space<vmem>> -> memref<64x128xf32, #tpu.memory_space<vmem>>
        %dma_start3A_589 = arith.constant 0 : i32
        %dma_start3A_590 = tpu.memref_slice %arg7[%run_scoped3A_310, %dma_start3A_589] : memref<3x64xi32, #tpu.memory_space<vmem>> -> memref<1x64xi32, #tpu.memory_space<vmem>>
        %dma_start3A_591 = tpu.memref_squeeze %dma_start3A_590 : memref<1x64xi32, #tpu.memory_space<vmem>> -> memref<64xi32, #tpu.memory_space<vmem>>
        %dma_start3A_592 = arith.constant 0 : i32
        %dma_start3A_593 = arith.constant 0 : i32
        %dma_start3A_594 = tpu.memref_slice %arg9[%dma_start3A_592, %dma_start3A_593] : memref<10240x128xf32, #tpu.memory_space<vmem_shared>> -> memref<10240x128xf32, #tpu.memory_space<vmem_shared>>
        tpu.enqueue_indirect_dma source(%dma_start3A_588 : memref<64x128xf32, #tpu.memory_space<vmem>>) target(%dma_start3A_594 : memref<10240x128xf32, #tpu.memory_space<vmem_shared>>) offsets(%dma_start3A_591 : memref<64xi32, #tpu.memory_space<vmem>>) semaphore(%run_scoped3A_585 : memref<!tpu.dma_semaphore, #tpu.memory_space<semaphore_mem>>) {add = true}
        %dma_wait3A_595 = arith.constant 0 : i32
        %dma_wait3A_596 = arith.constant 0 : i32
        %dma_wait3A_597 = tpu.memref_slice %arg8[%dma_wait3A_595, %dma_wait3A_596] : memref<192x128xf32, #tpu.memory_space<vmem>> -> memref<64x128xf32, #tpu.memory_space<vmem>>
        %dma_wait3A_598 = arith.constant 0 : i32
        %dma_wait3A_599 = tpu.memref_slice %arg7[%run_scoped3A_310, %dma_wait3A_598] : memref<3x64xi32, #tpu.memory_space<vmem>> -> memref<1x64xi32, #tpu.memory_space<vmem>>
        %dma_wait3A_600 = tpu.memref_squeeze %dma_wait3A_599 : memref<1x64xi32, #tpu.memory_space<vmem>> -> memref<64xi32, #tpu.memory_space<vmem>>
        %dma_wait3A_601 = arith.constant 0 : i32
        %dma_wait3A_602 = arith.constant 0 : i32
        %dma_wait3A_603 = tpu.memref_slice %arg9[%dma_wait3A_601, %dma_wait3A_602] : memref<10240x128xf32, #tpu.memory_space<vmem_shared>> -> memref<10240x128xf32, #tpu.memory_space<vmem_shared>>
        tpu.wait_indirect_dma semaphore(%run_scoped3A_585 : memref<!tpu.dma_semaphore, #tpu.memory_space<semaphore_mem>>) src(%dma_wait3A_597 : memref<64x128xf32, #tpu.memory_space<vmem>>) dst(%dma_wait3A_603 : memref<10240x128xf32, #tpu.memory_space<vmem_shared>>)
        tpu.yield
      }) : () -> ()
      %add3A_311 = arith.constant 3 : i32
      %add3A_312 = arith.addi %add3A_297, %add3A_311 : i32
      %get3A_313 = arith.index_cast %add3A_312 : i32 to index
      %get3A_314 = arith.constant 0 : index
      %get3A_315 = tpu.vector_load %arg5[%get3A_313, %get3A_314] {strides = array<i32>} : memref<159x64xi32, #tpu.memory_space<vmem>>, vector<16xi32>,
      %and3A_316 = arith.constant 65535 : i32
      %and3A_317 = vector.broadcast %and3A_316 : i32 to vector<16xi32>
      %and3A_318 = arith.andi %get3A_315, %and3A_317 : vector<16xi32>
      %swap3A_319 = arith.constant 0 : i32
      %swap3A_320 = arith.index_cast %swap3A_319 : i32 to index
      %swap3A_321 = arith.constant 0 : index
      %swap3A_322 = tpu.vector_load %arg6[%swap3A_320, %swap3A_321] {strides = array<i32>} : memref<3x64xi32, #tpu.memory_space<vmem>>, vector<16xi32>,
      tpu.vector_store %arg6[%swap3A_320, %swap3A_321], %and3A_318 {strides = array<i32>} : memref<3x64xi32, #tpu.memory_space<vmem>>, vector<16xi32>,
      %shift_right_arithmetic3A_323 = arith.constant 16 : i32
      %shift_right_arithmetic3A_324 = vector.broadcast %shift_right_arithmetic3A_323 : i32 to vector<16xi32>
      %shift_right_arithmetic3A_325 = arith.shrsi %get3A_315, %shift_right_arithmetic3A_324 : vector<16xi32>
      %swap3A_326 = arith.constant 0 : i32
      %swap3A_327 = arith.index_cast %swap3A_326 : i32 to index
      %swap3A_328 = arith.constant 0 : index
      %swap3A_329 = tpu.vector_load %arg7[%swap3A_327, %swap3A_328] {strides = array<i32>} : memref<3x64xi32, #tpu.memory_space<vmem>>, vector<16xi32>,
      tpu.vector_store %arg7[%swap3A_327, %swap3A_328], %shift_right_arithmetic3A_325 {strides = array<i32>} : memref<3x64xi32, #tpu.memory_space<vmem>>, vector<16xi32>,
      %get3A_330 = arith.index_cast %add3A_312 : i32 to index
      %get3A_331 = arith.constant 16 : index
      %get3A_332 = tpu.vector_load %arg5[%get3A_330, %get3A_331] {strides = array<i32>} : memref<159x64xi32, #tpu.memory_space<vmem>>, vector<16xi32>,
      %and3A_333 = arith.constant 65535 : i32
      %and3A_334 = vector.broadcast %and3A_333 : i32 to vector<16xi32>
      %and3A_335 = arith.andi %get3A_332, %and3A_334 : vector<16xi32>
      %swap3A_336 = arith.constant 0 : i32
      %swap3A_337 = arith.index_cast %swap3A_336 : i32 to index
      %swap3A_338 = arith.constant 16 : index
      %swap3A_339 = tpu.vector_load %arg6[%swap3A_337, %swap3A_338] {strides = array<i32>} : memref<3x64xi32, #tpu.memory_space<vmem>>, vector<16xi32>,
      tpu.vector_store %arg6[%swap3A_337, %swap3A_338], %and3A_335 {strides = array<i32>} : memref<3x64xi32, #tpu.memory_space<vmem>>, vector<16xi32>,
      %shift_right_arithmetic3A_340 = arith.constant 16 : i32
      %shift_right_arithmetic3A_341 = vector.broadcast %shift_right_arithmetic3A_340 : i32 to vector<16xi32>
      %shift_right_arithmetic3A_342 = arith.shrsi %get3A_332, %shift_right_arithmetic3A_341 : vector<16xi32>
      %swap3A_343 = arith.constant 0 : i32
      %swap3A_344 = arith.index_cast %swap3A_343 : i32 to index
      %swap3A_345 = arith.constant 16 : index
      %swap3A_346 = tpu.vector_load %arg7[%swap3A_344, %swap3A_345] {strides = array<i32>} : memref<3x64xi32, #tpu.memory_space<vmem>>, vector<16xi32>,
      tpu.vector_store %arg7[%swap3A_344, %swap3A_345], %shift_right_arithmetic3A_342 {strides = array<i32>} : memref<3x64xi32, #tpu.memory_space<vmem>>, vector<16xi32>,
      %get3A_347 = arith.index_cast %add3A_312 : i32 to index
      %get3A_348 = arith.constant 32 : index
      %get3A_349 = tpu.vector_load %arg5[%get3A_347, %get3A_348] {strides = array<i32>} : memref<159x64xi32, #tpu.memory_space<vmem>>, vector<16xi32>,
      %and3A_350 = arith.constant 65535 : i32
      %and3A_351 = vector.broadcast %and3A_350 : i32 to vector<16xi32>
      %and3A_352 = arith.andi %get3A_349, %and3A_351 : vector<16xi32>
      %swap3A_353 = arith.constant 0 : i32
      %swap3A_354 = arith.index_cast %swap3A_353 : i32 to index
      %swap3A_355 = arith.constant 32 : index
      %swap3A_356 = tpu.vector_load %arg6[%swap3A_354, %swap3A_355] {strides = array<i32>} : memref<3x64xi32, #tpu.memory_space<vmem>>, vector<16xi32>,
      tpu.vector_store %arg6[%swap3A_354, %swap3A_355], %and3A_352 {strides = array<i32>} : memref<3x64xi32, #tpu.memory_space<vmem>>, vector<16xi32>,
      %shift_right_arithmetic3A_357 = arith.constant 16 : i32
      %shift_right_arithmetic3A_358 = vector.broadcast %shift_right_arithmetic3A_357 : i32 to vector<16xi32>
      %shift_right_arithmetic3A_359 = arith.shrsi %get3A_349, %shift_right_arithmetic3A_358 : vector<16xi32>
      %swap3A_360 = arith.constant 0 : i32
      %swap3A_361 = arith.index_cast %swap3A_360 : i32 to index
      %swap3A_362 = arith.constant 32 : index
      %swap3A_363 = tpu.vector_load %arg7[%swap3A_361, %swap3A_362] {strides = array<i32>} : memref<3x64xi32, #tpu.memory_space<vmem>>, vector<16xi32>,
      tpu.vector_store %arg7[%swap3A_361, %swap3A_362], %shift_right_arithmetic3A_359 {strides = array<i32>} : memref<3x64xi32, #tpu.memory_space<vmem>>, vector<16xi32>,
      %get3A_364 = arith.index_cast %add3A_312 : i32 to index
      %get3A_365 = arith.constant 48 : index
      %get3A_366 = tpu.vector_load %arg5[%get3A_364, %get3A_365] {strides = array<i32>} : memref<159x64xi32, #tpu.memory_space<vmem>>, vector<16xi32>,
      %and3A_367 = arith.constant 65535 : i32
      %and3A_368 = vector.broadcast %and3A_367 : i32 to vector<16xi32>
      %and3A_369 = arith.andi %get3A_366, %and3A_368 : vector<16xi32>
      %swap3A_370 = arith.constant 0 : i32
      %swap3A_371 = arith.index_cast %swap3A_370 : i32 to index
      %swap3A_372 = arith.constant 48 : index
      %swap3A_373 = tpu.vector_load %arg6[%swap3A_371, %swap3A_372] {strides = array<i32>} : memref<3x64xi32, #tpu.memory_space<vmem>>, vector<16xi32>,
      tpu.vector_store %arg6[%swap3A_371, %swap3A_372], %and3A_369 {strides = array<i32>} : memref<3x64xi32, #tpu.memory_space<vmem>>, vector<16xi32>,
      %shift_right_arithmetic3A_374 = arith.constant 16 : i32
      %shift_right_arithmetic3A_375 = vector.broadcast %shift_right_arithmetic3A_374 : i32 to vector<16xi32>
      %shift_right_arithmetic3A_376 = arith.shrsi %get3A_366, %shift_right_arithmetic3A_375 : vector<16xi32>
      %swap3A_377 = arith.constant 0 : i32
      %swap3A_378 = arith.index_cast %swap3A_377 : i32 to index
      %swap3A_379 = arith.constant 48 : index
      %swap3A_380 = tpu.vector_load %arg7[%swap3A_378, %swap3A_379] {strides = array<i32>} : memref<3x64xi32, #tpu.memory_space<vmem>>, vector<16xi32>,
      tpu.vector_store %arg7[%swap3A_378, %swap3A_379], %shift_right_arithmetic3A_376 {strides = array<i32>} : memref<3x64xi32, #tpu.memory_space<vmem>>, vector<16xi32>,
      %dma_start3A_381 = arith.constant 0 : i32
      %dma_start3A_382 = arith.constant 0 : i32
      %dma_start3A_383 = arith.constant 0 : i32
      %dma_start3A_384 = tpu.memref_slice %arg8[%dma_start3A_382, %dma_start3A_383] : memref<192x128xf32, #tpu.memory_space<vmem>> -> memref<64x128xf32, #tpu.memory_space<vmem>>
      %dma_start3A_385 = arith.constant 0 : i32
      %dma_start3A_386 = tpu.memref_slice %arg6[%dma_start3A_381, %dma_start3A_385] : memref<3x64xi32, #tpu.memory_space<vmem>> -> memref<1x64xi32, #tpu.memory_space<vmem>>
      %dma_start3A_387 = tpu.memref_squeeze %dma_start3A_386 : memref<1x64xi32, #tpu.memory_space<vmem>> -> memref<64xi32, #tpu.memory_space<vmem>>
      %dma_start3A_388 = arith.constant 0 : i32
      %dma_start3A_389 = arith.constant 0 : i32
      %dma_start3A_390 = tpu.memref_slice %arg2[%dma_start3A_388, %dma_start3A_389] : memref<10240x128xf32, #tpu.memory_space<hbm>> -> memref<10240x128xf32, #tpu.memory_space<hbm>>
      tpu.enqueue_indirect_dma source(%dma_start3A_390 : memref<10240x128xf32, #tpu.memory_space<hbm>>) target(%dma_start3A_384 : memref<64x128xf32, #tpu.memory_space<vmem>>) offsets(%dma_start3A_387 : memref<64xi32, #tpu.memory_space<vmem>>) semaphore(%arg10 : memref<!tpu.dma_semaphore, #tpu.memory_space<semaphore_mem>>)
      %mul3A_391 = arith.constant 3 : i32
      %mul3A_392 = arith.muli %scan3A_293, %mul3A_391 : i32
      %add3A_393 = arith.constant 1 : i32
      %add3A_394 = arith.addi %mul3A_392, %add3A_393 : i32
      %dma_wait3A_395 = arith.constant 64 : i32
      %dma_wait3A_396 = arith.constant 0 : i32
      %dma_wait3A_397 = tpu.memref_slice %arg8[%dma_wait3A_395, %dma_wait3A_396] : memref<192x128xf32, #tpu.memory_space<vmem>> -> memref<64x128xf32, #tpu.memory_space<vmem>>
      %dma_wait3A_398 = arith.constant 0 : i32
      %dma_wait3A_399 = arith.constant 0 : i32
      %dma_wait3A_400 = tpu.memref_slice %arg2[%dma_wait3A_398, %dma_wait3A_399] : memref<10240x128xf32, #tpu.memory_space<hbm>> -> memref<64x128xf32, #tpu.memory_space<hbm>>
      %dma_wait3A_401 = arith.constant 64 : i32
      %dma_wait3A_402 = arith.constant 0 : i32
      %dma_wait3A_403 = tpu.memref_slice %arg8[%dma_wait3A_401, %dma_wait3A_402] : memref<192x128xf32, #tpu.memory_space<vmem>> -> memref<64x128xf32, #tpu.memory_space<vmem>>
      %dma_wait3A_404 = arith.constant 0 : i32
      %dma_wait3A_405 = arith.constant 0 : i32
      %dma_wait3A_406 = tpu.memref_slice %arg2[%dma_wait3A_404, %dma_wait3A_405] : memref<10240x128xf32, #tpu.memory_space<hbm>> -> memref<64x128xf32, #tpu.memory_space<hbm>>
      tpu.wait_dma2 semaphore(%arg10 : memref<!tpu.dma_semaphore, #tpu.memory_space<semaphore_mem>>) src(%dma_wait3A_406 : memref<64x128xf32, #tpu.memory_space<hbm>>) dst(%dma_wait3A_403 : memref<64x128xf32, #tpu.memory_space<vmem>>)
      %run_scoped3A_407 = arith.constant 1 : i32
      "tpu.region"() ({
        %run_scoped3A_585 = tpu.sem_alloc : memref<!tpu.dma_semaphore, #tpu.memory_space<semaphore_mem>>
        %dma_start3A_586 = arith.constant 64 : i32
        %dma_start3A_587 = arith.constant 0 : i32
        %dma_start3A_588 = tpu.memref_slice %arg8[%dma_start3A_586, %dma_start3A_587] : memref<192x128xf32, #tpu.memory_space<vmem>> -> memref<64x128xf32, #tpu.memory_space<vmem>>
        %dma_start3A_589 = arith.constant 0 : i32
        %dma_start3A_590 = tpu.memref_slice %arg7[%run_scoped3A_407, %dma_start3A_589] : memref<3x64xi32, #tpu.memory_space<vmem>> -> memref<1x64xi32, #tpu.memory_space<vmem>>
        %dma_start3A_591 = tpu.memref_squeeze %dma_start3A_590 : memref<1x64xi32, #tpu.memory_space<vmem>> -> memref<64xi32, #tpu.memory_space<vmem>>
        %dma_start3A_592 = arith.constant 0 : i32
        %dma_start3A_593 = arith.constant 0 : i32
        %dma_start3A_594 = tpu.memref_slice %arg9[%dma_start3A_592, %dma_start3A_593] : memref<10240x128xf32, #tpu.memory_space<vmem_shared>> -> memref<10240x128xf32, #tpu.memory_space<vmem_shared>>
        tpu.enqueue_indirect_dma source(%dma_start3A_588 : memref<64x128xf32, #tpu.memory_space<vmem>>) target(%dma_start3A_594 : memref<10240x128xf32, #tpu.memory_space<vmem_shared>>) offsets(%dma_start3A_591 : memref<64xi32, #tpu.memory_space<vmem>>) semaphore(%run_scoped3A_585 : memref<!tpu.dma_semaphore, #tpu.memory_space<semaphore_mem>>) {add = true}
        %dma_wait3A_595 = arith.constant 64 : i32
        %dma_wait3A_596 = arith.constant 0 : i32
        %dma_wait3A_597 = tpu.memref_slice %arg8[%dma_wait3A_595, %dma_wait3A_596] : memref<192x128xf32, #tpu.memory_space<vmem>> -> memref<64x128xf32, #tpu.memory_space<vmem>>
        %dma_wait3A_598 = arith.constant 0 : i32
        %dma_wait3A_599 = tpu.memref_slice %arg7[%run_scoped3A_407, %dma_wait3A_598] : memref<3x64xi32, #tpu.memory_space<vmem>> -> memref<1x64xi32, #tpu.memory_space<vmem>>
        %dma_wait3A_600 = tpu.memref_squeeze %dma_wait3A_599 : memref<1x64xi32, #tpu.memory_space<vmem>> -> memref<64xi32, #tpu.memory_space<vmem>>
        %dma_wait3A_601 = arith.constant 0 : i32
        %dma_wait3A_602 = arith.constant 0 : i32
        %dma_wait3A_603 = tpu.memref_slice %arg9[%dma_wait3A_601, %dma_wait3A_602] : memref<10240x128xf32, #tpu.memory_space<vmem_shared>> -> memref<10240x128xf32, #tpu.memory_space<vmem_shared>>
        tpu.wait_indirect_dma semaphore(%run_scoped3A_585 : memref<!tpu.dma_semaphore, #tpu.memory_space<semaphore_mem>>) src(%dma_wait3A_597 : memref<64x128xf32, #tpu.memory_space<vmem>>) dst(%dma_wait3A_603 : memref<10240x128xf32, #tpu.memory_space<vmem_shared>>)
        tpu.yield
      }) : () -> ()
      %add3A_408 = arith.constant 3 : i32
      %add3A_409 = arith.addi %add3A_394, %add3A_408 : i32
      %get3A_410 = arith.index_cast %add3A_409 : i32 to index
      %get3A_411 = arith.constant 0 : index
      %get3A_412 = tpu.vector_load %arg5[%get3A_410, %get3A_411] {strides = array<i32>} : memref<159x64xi32, #tpu.memory_space<vmem>>, vector<16xi32>,
      %and3A_413 = arith.constant 65535 : i32
      %and3A_414 = vector.broadcast %and3A_413 : i32 to vector<16xi32>
      %and3A_415 = arith.andi %get3A_412, %and3A_414 : vector<16xi32>
      %swap3A_416 = arith.constant 1 : i32
      %swap3A_417 = arith.index_cast %swap3A_416 : i32 to index
      %swap3A_418 = arith.constant 0 : index
      %swap3A_419 = tpu.vector_load %arg6[%swap3A_417, %swap3A_418] {strides = array<i32>} : memref<3x64xi32, #tpu.memory_space<vmem>>, vector<16xi32>,
      tpu.vector_store %arg6[%swap3A_417, %swap3A_418], %and3A_415 {strides = array<i32>} : memref<3x64xi32, #tpu.memory_space<vmem>>, vector<16xi32>,
      %shift_right_arithmetic3A_420 = arith.constant 16 : i32
      %shift_right_arithmetic3A_421 = vector.broadcast %shift_right_arithmetic3A_420 : i32 to vector<16xi32>
      %shift_right_arithmetic3A_422 = arith.shrsi %get3A_412, %shift_right_arithmetic3A_421 : vector<16xi32>
      %swap3A_423 = arith.constant 1 : i32
      %swap3A_424 = arith.index_cast %swap3A_423 : i32 to index
      %swap3A_425 = arith.constant 0 : index
      %swap3A_426 = tpu.vector_load %arg7[%swap3A_424, %swap3A_425] {strides = array<i32>} : memref<3x64xi32, #tpu.memory_space<vmem>>, vector<16xi32>,
      tpu.vector_store %arg7[%swap3A_424, %swap3A_425], %shift_right_arithmetic3A_422 {strides = array<i32>} : memref<3x64xi32, #tpu.memory_space<vmem>>, vector<16xi32>,
      %get3A_427 = arith.index_cast %add3A_409 : i32 to index
      %get3A_428 = arith.constant 16 : index
      %get3A_429 = tpu.vector_load %arg5[%get3A_427, %get3A_428] {strides = array<i32>} : memref<159x64xi32, #tpu.memory_space<vmem>>, vector<16xi32>,
      %and3A_430 = arith.constant 65535 : i32
      %and3A_431 = vector.broadcast %and3A_430 : i32 to vector<16xi32>
      %and3A_432 = arith.andi %get3A_429, %and3A_431 : vector<16xi32>
      %swap3A_433 = arith.constant 1 : i32
      %swap3A_434 = arith.index_cast %swap3A_433 : i32 to index
      %swap3A_435 = arith.constant 16 : index
      %swap3A_436 = tpu.vector_load %arg6[%swap3A_434, %swap3A_435] {strides = array<i32>} : memref<3x64xi32, #tpu.memory_space<vmem>>, vector<16xi32>,
      tpu.vector_store %arg6[%swap3A_434, %swap3A_435], %and3A_432 {strides = array<i32>} : memref<3x64xi32, #tpu.memory_space<vmem>>, vector<16xi32>,
      %shift_right_arithmetic3A_437 = arith.constant 16 : i32
      %shift_right_arithmetic3A_438 = vector.broadcast %shift_right_arithmetic3A_437 : i32 to vector<16xi32>
      %shift_right_arithmetic3A_439 = arith.shrsi %get3A_429, %shift_right_arithmetic3A_438 : vector<16xi32>
      %swap3A_440 = arith.constant 1 : i32
      %swap3A_441 = arith.index_cast %swap3A_440 : i32 to index
      %swap3A_442 = arith.constant 16 : index
      %swap3A_443 = tpu.vector_load %arg7[%swap3A_441, %swap3A_442] {strides = array<i32>} : memref<3x64xi32, #tpu.memory_space<vmem>>, vector<16xi32>,
      tpu.vector_store %arg7[%swap3A_441, %swap3A_442], %shift_right_arithmetic3A_439 {strides = array<i32>} : memref<3x64xi32, #tpu.memory_space<vmem>>, vector<16xi32>,
      %get3A_444 = arith.index_cast %add3A_409 : i32 to index
      %get3A_445 = arith.constant 32 : index
      %get3A_446 = tpu.vector_load %arg5[%get3A_444, %get3A_445] {strides = array<i32>} : memref<159x64xi32, #tpu.memory_space<vmem>>, vector<16xi32>,
      %and3A_447 = arith.constant 65535 : i32
      %and3A_448 = vector.broadcast %and3A_447 : i32 to vector<16xi32>
      %and3A_449 = arith.andi %get3A_446, %and3A_448 : vector<16xi32>
      %swap3A_450 = arith.constant 1 : i32
      %swap3A_451 = arith.index_cast %swap3A_450 : i32 to index
      %swap3A_452 = arith.constant 32 : index
      %swap3A_453 = tpu.vector_load %arg6[%swap3A_451, %swap3A_452] {strides = array<i32>} : memref<3x64xi32, #tpu.memory_space<vmem>>, vector<16xi32>,
      tpu.vector_store %arg6[%swap3A_451, %swap3A_452], %and3A_449 {strides = array<i32>} : memref<3x64xi32, #tpu.memory_space<vmem>>, vector<16xi32>,
      %shift_right_arithmetic3A_454 = arith.constant 16 : i32
      %shift_right_arithmetic3A_455 = vector.broadcast %shift_right_arithmetic3A_454 : i32 to vector<16xi32>
      %shift_right_arithmetic3A_456 = arith.shrsi %get3A_446, %shift_right_arithmetic3A_455 : vector<16xi32>
      %swap3A_457 = arith.constant 1 : i32
      %swap3A_458 = arith.index_cast %swap3A_457 : i32 to index
      %swap3A_459 = arith.constant 32 : index
      %swap3A_460 = tpu.vector_load %arg7[%swap3A_458, %swap3A_459] {strides = array<i32>} : memref<3x64xi32, #tpu.memory_space<vmem>>, vector<16xi32>,
      tpu.vector_store %arg7[%swap3A_458, %swap3A_459], %shift_right_arithmetic3A_456 {strides = array<i32>} : memref<3x64xi32, #tpu.memory_space<vmem>>, vector<16xi32>,
      %get3A_461 = arith.index_cast %add3A_409 : i32 to index
      %get3A_462 = arith.constant 48 : index
      %get3A_463 = tpu.vector_load %arg5[%get3A_461, %get3A_462] {strides = array<i32>} : memref<159x64xi32, #tpu.memory_space<vmem>>, vector<16xi32>,
      %and3A_464 = arith.constant 65535 : i32
      %and3A_465 = vector.broadcast %and3A_464 : i32 to vector<16xi32>
      %and3A_466 = arith.andi %get3A_463, %and3A_465 : vector<16xi32>
      %swap3A_467 = arith.constant 1 : i32
      %swap3A_468 = arith.index_cast %swap3A_467 : i32 to index
      %swap3A_469 = arith.constant 48 : index
      %swap3A_470 = tpu.vector_load %arg6[%swap3A_468, %swap3A_469] {strides = array<i32>} : memref<3x64xi32, #tpu.memory_space<vmem>>, vector<16xi32>,
      tpu.vector_store %arg6[%swap3A_468, %swap3A_469], %and3A_466 {strides = array<i32>} : memref<3x64xi32, #tpu.memory_space<vmem>>, vector<16xi32>,
      %shift_right_arithmetic3A_471 = arith.constant 16 : i32
      %shift_right_arithmetic3A_472 = vector.broadcast %shift_right_arithmetic3A_471 : i32 to vector<16xi32>
      %shift_right_arithmetic3A_473 = arith.shrsi %get3A_463, %shift_right_arithmetic3A_472 : vector<16xi32>
      %swap3A_474 = arith.constant 1 : i32
      %swap3A_475 = arith.index_cast %swap3A_474 : i32 to index
      %swap3A_476 = arith.constant 48 : index
      %swap3A_477 = tpu.vector_load %arg7[%swap3A_475, %swap3A_476] {strides = array<i32>} : memref<3x64xi32, #tpu.memory_space<vmem>>, vector<16xi32>,
      tpu.vector_store %arg7[%swap3A_475, %swap3A_476], %shift_right_arithmetic3A_473 {strides = array<i32>} : memref<3x64xi32, #tpu.memory_space<vmem>>, vector<16xi32>,
      %dma_start3A_478 = arith.constant 1 : i32
      %dma_start3A_479 = arith.constant 64 : i32
      %dma_start3A_480 = arith.constant 0 : i32
      %dma_start3A_481 = tpu.memref_slice %arg8[%dma_start3A_479, %dma_start3A_480] : memref<192x128xf32, #tpu.memory_space<vmem>> -> memref<64x128xf32, #tpu.memory_space<vmem>>
      %dma_start3A_482 = arith.constant 0 : i32
      %dma_start3A_483 = tpu.memref_slice %arg6[%dma_start3A_478, %dma_start3A_482] : memref<3x64xi32, #tpu.memory_space<vmem>> -> memref<1x64xi32, #tpu.memory_space<vmem>>
      %dma_start3A_484 = tpu.memref_squeeze %dma_start3A_483 : memref<1x64xi32, #tpu.memory_space<vmem>> -> memref<64xi32, #tpu.memory_space<vmem>>
      %dma_start3A_485 = arith.constant 0 : i32
      %dma_start3A_486 = arith.constant 0 : i32
      %dma_start3A_487 = tpu.memref_slice %arg2[%dma_start3A_485, %dma_start3A_486] : memref<10240x128xf32, #tpu.memory_space<hbm>> -> memref<10240x128xf32, #tpu.memory_space<hbm>>
      tpu.enqueue_indirect_dma source(%dma_start3A_487 : memref<10240x128xf32, #tpu.memory_space<hbm>>) target(%dma_start3A_481 : memref<64x128xf32, #tpu.memory_space<vmem>>) offsets(%dma_start3A_484 : memref<64xi32, #tpu.memory_space<vmem>>) semaphore(%arg10 : memref<!tpu.dma_semaphore, #tpu.memory_space<semaphore_mem>>)
      %mul3A_488 = arith.constant 3 : i32
      %mul3A_489 = arith.muli %scan3A_293, %mul3A_488 : i32
      %add3A_490 = arith.constant 2 : i32
      %add3A_491 = arith.addi %mul3A_489, %add3A_490 : i32
      %dma_wait3A_492 = arith.constant 128 : i32
      %dma_wait3A_493 = arith.constant 0 : i32
      %dma_wait3A_494 = tpu.memref_slice %arg8[%dma_wait3A_492, %dma_wait3A_493] : memref<192x128xf32, #tpu.memory_space<vmem>> -> memref<64x128xf32, #tpu.memory_space<vmem>>
      %dma_wait3A_495 = arith.constant 0 : i32
      %dma_wait3A_496 = arith.constant 0 : i32
      %dma_wait3A_497 = tpu.memref_slice %arg2[%dma_wait3A_495, %dma_wait3A_496] : memref<10240x128xf32, #tpu.memory_space<hbm>> -> memref<64x128xf32, #tpu.memory_space<hbm>>
      %dma_wait3A_498 = arith.constant 128 : i32
      %dma_wait3A_499 = arith.constant 0 : i32
      %dma_wait3A_500 = tpu.memref_slice %arg8[%dma_wait3A_498, %dma_wait3A_499] : memref<192x128xf32, #tpu.memory_space<vmem>> -> memref<64x128xf32, #tpu.memory_space<vmem>>
      %dma_wait3A_501 = arith.constant 0 : i32
      %dma_wait3A_502 = arith.constant 0 : i32
      %dma_wait3A_503 = tpu.memref_slice %arg2[%dma_wait3A_501, %dma_wait3A_502] : memref<10240x128xf32, #tpu.memory_space<hbm>> -> memref<64x128xf32, #tpu.memory_space<hbm>>
      tpu.wait_dma2 semaphore(%arg10 : memref<!tpu.dma_semaphore, #tpu.memory_space<semaphore_mem>>) src(%dma_wait3A_503 : memref<64x128xf32, #tpu.memory_space<hbm>>) dst(%dma_wait3A_500 : memref<64x128xf32, #tpu.memory_space<vmem>>)
      %run_scoped3A_504 = arith.constant 2 : i32
      "tpu.region"() ({
        %run_scoped3A_585 = tpu.sem_alloc : memref<!tpu.dma_semaphore, #tpu.memory_space<semaphore_mem>>
        %dma_start3A_586 = arith.constant 128 : i32
        %dma_start3A_587 = arith.constant 0 : i32
        %dma_start3A_588 = tpu.memref_slice %arg8[%dma_start3A_586, %dma_start3A_587] : memref<192x128xf32, #tpu.memory_space<vmem>> -> memref<64x128xf32, #tpu.memory_space<vmem>>
        %dma_start3A_589 = arith.constant 0 : i32
        %dma_start3A_590 = tpu.memref_slice %arg7[%run_scoped3A_504, %dma_start3A_589] : memref<3x64xi32, #tpu.memory_space<vmem>> -> memref<1x64xi32, #tpu.memory_space<vmem>>
        %dma_start3A_591 = tpu.memref_squeeze %dma_start3A_590 : memref<1x64xi32, #tpu.memory_space<vmem>> -> memref<64xi32, #tpu.memory_space<vmem>>
        %dma_start3A_592 = arith.constant 0 : i32
        %dma_start3A_593 = arith.constant 0 : i32
        %dma_start3A_594 = tpu.memref_slice %arg9[%dma_start3A_592, %dma_start3A_593] : memref<10240x128xf32, #tpu.memory_space<vmem_shared>> -> memref<10240x128xf32, #tpu.memory_space<vmem_shared>>
        tpu.enqueue_indirect_dma source(%dma_start3A_588 : memref<64x128xf32, #tpu.memory_space<vmem>>) target(%dma_start3A_594 : memref<10240x128xf32, #tpu.memory_space<vmem_shared>>) offsets(%dma_start3A_591 : memref<64xi32, #tpu.memory_space<vmem>>) semaphore(%run_scoped3A_585 : memref<!tpu.dma_semaphore, #tpu.memory_space<semaphore_mem>>) {add = true}
        %dma_wait3A_595 = arith.constant 128 : i32
        %dma_wait3A_596 = arith.constant 0 : i32
        %dma_wait3A_597 = tpu.memref_slice %arg8[%dma_wait3A_595, %dma_wait3A_596] : memref<192x128xf32, #tpu.memory_space<vmem>> -> memref<64x128xf32, #tpu.memory_space<vmem>>
        %dma_wait3A_598 = arith.constant 0 : i32
        %dma_wait3A_599 = tpu.memref_slice %arg7[%run_scoped3A_504, %dma_wait3A_598] : memref<3x64xi32, #tpu.memory_space<vmem>> -> memref<1x64xi32, #tpu.memory_space<vmem>>
        %dma_wait3A_600 = tpu.memref_squeeze %dma_wait3A_599 : memref<1x64xi32, #tpu.memory_space<vmem>> -> memref<64xi32, #tpu.memory_space<vmem>>
        %dma_wait3A_601 = arith.constant 0 : i32
        %dma_wait3A_602 = arith.constant 0 : i32
        %dma_wait3A_603 = tpu.memref_slice %arg9[%dma_wait3A_601, %dma_wait3A_602] : memref<10240x128xf32, #tpu.memory_space<vmem_shared>> -> memref<10240x128xf32, #tpu.memory_space<vmem_shared>>
        tpu.wait_indirect_dma semaphore(%run_scoped3A_585 : memref<!tpu.dma_semaphore, #tpu.memory_space<semaphore_mem>>) src(%dma_wait3A_597 : memref<64x128xf32, #tpu.memory_space<vmem>>) dst(%dma_wait3A_603 : memref<10240x128xf32, #tpu.memory_space<vmem_shared>>)
        tpu.yield
      }) : () -> ()
      %add3A_505 = arith.constant 3 : i32
      %add3A_506 = arith.addi %add3A_491, %add3A_505 : i32
      %get3A_507 = arith.index_cast %add3A_506 : i32 to index
      %get3A_508 = arith.constant 0 : index
      %get3A_509 = tpu.vector_load %arg5[%get3A_507, %get3A_508] {strides = array<i32>} : memref<159x64xi32, #tpu.memory_space<vmem>>, vector<16xi32>,
      %and3A_510 = arith.constant 65535 : i32
      %and3A_511 = vector.broadcast %and3A_510 : i32 to vector<16xi32>
      %and3A_512 = arith.andi %get3A_509, %and3A_511 : vector<16xi32>
      %swap3A_513 = arith.constant 2 : i32
      %swap3A_514 = arith.index_cast %swap3A_513 : i32 to index
      %swap3A_515 = arith.constant 0 : index
      %swap3A_516 = tpu.vector_load %arg6[%swap3A_514, %swap3A_515] {strides = array<i32>} : memref<3x64xi32, #tpu.memory_space<vmem>>, vector<16xi32>,
      tpu.vector_store %arg6[%swap3A_514, %swap3A_515], %and3A_512 {strides = array<i32>} : memref<3x64xi32, #tpu.memory_space<vmem>>, vector<16xi32>,
      %shift_right_arithmetic3A_517 = arith.constant 16 : i32
      %shift_right_arithmetic3A_518 = vector.broadcast %shift_right_arithmetic3A_517 : i32 to vector<16xi32>
      %shift_right_arithmetic3A_519 = arith.shrsi %get3A_509, %shift_right_arithmetic3A_518 : vector<16xi32>
      %swap3A_520 = arith.constant 2 : i32
      %swap3A_521 = arith.index_cast %swap3A_520 : i32 to index
      %swap3A_522 = arith.constant 0 : index
      %swap3A_523 = tpu.vector_load %arg7[%swap3A_521, %swap3A_522] {strides = array<i32>} : memref<3x64xi32, #tpu.memory_space<vmem>>, vector<16xi32>,
      tpu.vector_store %arg7[%swap3A_521, %swap3A_522], %shift_right_arithmetic3A_519 {strides = array<i32>} : memref<3x64xi32, #tpu.memory_space<vmem>>, vector<16xi32>,
      %get3A_524 = arith.index_cast %add3A_506 : i32 to index
      %get3A_525 = arith.constant 16 : index
      %get3A_526 = tpu.vector_load %arg5[%get3A_524, %get3A_525] {strides = array<i32>} : memref<159x64xi32, #tpu.memory_space<vmem>>, vector<16xi32>,
      %and3A_527 = arith.constant 65535 : i32
      %and3A_528 = vector.broadcast %and3A_527 : i32 to vector<16xi32>
      %and3A_529 = arith.andi %get3A_526, %and3A_528 : vector<16xi32>
      %swap3A_530 = arith.constant 2 : i32
      %swap3A_531 = arith.index_cast %swap3A_530 : i32 to index
      %swap3A_532 = arith.constant 16 : index
      %swap3A_533 = tpu.vector_load %arg6[%swap3A_531, %swap3A_532] {strides = array<i32>} : memref<3x64xi32, #tpu.memory_space<vmem>>, vector<16xi32>,
      tpu.vector_store %arg6[%swap3A_531, %swap3A_532], %and3A_529 {strides = array<i32>} : memref<3x64xi32, #tpu.memory_space<vmem>>, vector<16xi32>,
      %shift_right_arithmetic3A_534 = arith.constant 16 : i32
      %shift_right_arithmetic3A_535 = vector.broadcast %shift_right_arithmetic3A_534 : i32 to vector<16xi32>
      %shift_right_arithmetic3A_536 = arith.shrsi %get3A_526, %shift_right_arithmetic3A_535 : vector<16xi32>
      %swap3A_537 = arith.constant 2 : i32
      %swap3A_538 = arith.index_cast %swap3A_537 : i32 to index
      %swap3A_539 = arith.constant 16 : index
      %swap3A_540 = tpu.vector_load %arg7[%swap3A_538, %swap3A_539] {strides = array<i32>} : memref<3x64xi32, #tpu.memory_space<vmem>>, vector<16xi32>,
      tpu.vector_store %arg7[%swap3A_538, %swap3A_539], %shift_right_arithmetic3A_536 {strides = array<i32>} : memref<3x64xi32, #tpu.memory_space<vmem>>, vector<16xi32>,
      %get3A_541 = arith.index_cast %add3A_506 : i32 to index
      %get3A_542 = arith.constant 32 : index
      %get3A_543 = tpu.vector_load %arg5[%get3A_541, %get3A_542] {strides = array<i32>} : memref<159x64xi32, #tpu.memory_space<vmem>>, vector<16xi32>,
      %and3A_544 = arith.constant 65535 : i32
      %and3A_545 = vector.broadcast %and3A_544 : i32 to vector<16xi32>
      %and3A_546 = arith.andi %get3A_543, %and3A_545 : vector<16xi32>
      %swap3A_547 = arith.constant 2 : i32
      %swap3A_548 = arith.index_cast %swap3A_547 : i32 to index
      %swap3A_549 = arith.constant 32 : index
      %swap3A_550 = tpu.vector_load %arg6[%swap3A_548, %swap3A_549] {strides = array<i32>} : memref<3x64xi32, #tpu.memory_space<vmem>>, vector<16xi32>,
      tpu.vector_store %arg6[%swap3A_548, %swap3A_549], %and3A_546 {strides = array<i32>} : memref<3x64xi32, #tpu.memory_space<vmem>>, vector<16xi32>,
      %shift_right_arithmetic3A_551 = arith.constant 16 : i32
      %shift_right_arithmetic3A_552 = vector.broadcast %shift_right_arithmetic3A_551 : i32 to vector<16xi32>
      %shift_right_arithmetic3A_553 = arith.shrsi %get3A_543, %shift_right_arithmetic3A_552 : vector<16xi32>
      %swap3A_554 = arith.constant 2 : i32
      %swap3A_555 = arith.index_cast %swap3A_554 : i32 to index
      %swap3A_556 = arith.constant 32 : index
      %swap3A_557 = tpu.vector_load %arg7[%swap3A_555, %swap3A_556] {strides = array<i32>} : memref<3x64xi32, #tpu.memory_space<vmem>>, vector<16xi32>,
      tpu.vector_store %arg7[%swap3A_555, %swap3A_556], %shift_right_arithmetic3A_553 {strides = array<i32>} : memref<3x64xi32, #tpu.memory_space<vmem>>, vector<16xi32>,
      %get3A_558 = arith.index_cast %add3A_506 : i32 to index
      %get3A_559 = arith.constant 48 : index
      %get3A_560 = tpu.vector_load %arg5[%get3A_558, %get3A_559] {strides = array<i32>} : memref<159x64xi32, #tpu.memory_space<vmem>>, vector<16xi32>,
      %and3A_561 = arith.constant 65535 : i32
      %and3A_562 = vector.broadcast %and3A_561 : i32 to vector<16xi32>
      %and3A_563 = arith.andi %get3A_560, %and3A_562 : vector<16xi32>
      %swap3A_564 = arith.constant 2 : i32
      %swap3A_565 = arith.index_cast %swap3A_564 : i32 to index
      %swap3A_566 = arith.constant 48 : index
      %swap3A_567 = tpu.vector_load %arg6[%swap3A_565, %swap3A_566] {strides = array<i32>} : memref<3x64xi32, #tpu.memory_space<vmem>>, vector<16xi32>,
      tpu.vector_store %arg6[%swap3A_565, %swap3A_566], %and3A_563 {strides = array<i32>} : memref<3x64xi32, #tpu.memory_space<vmem>>, vector<16xi32>,
      %shift_right_arithmetic3A_568 = arith.constant 16 : i32
      %shift_right_arithmetic3A_569 = vector.broadcast %shift_right_arithmetic3A_568 : i32 to vector<16xi32>
      %shift_right_arithmetic3A_570 = arith.shrsi %get3A_560, %shift_right_arithmetic3A_569 : vector<16xi32>
      %swap3A_571 = arith.constant 2 : i32
      %swap3A_572 = arith.index_cast %swap3A_571 : i32 to index
      %swap3A_573 = arith.constant 48 : index
      %swap3A_574 = tpu.vector_load %arg7[%swap3A_572, %swap3A_573] {strides = array<i32>} : memref<3x64xi32, #tpu.memory_space<vmem>>, vector<16xi32>,
      tpu.vector_store %arg7[%swap3A_572, %swap3A_573], %shift_right_arithmetic3A_570 {strides = array<i32>} : memref<3x64xi32, #tpu.memory_space<vmem>>, vector<16xi32>,
      %dma_start3A_575 = arith.constant 2 : i32
      %dma_start3A_576 = arith.constant 128 : i32
      %dma_start3A_577 = arith.constant 0 : i32
      %dma_start3A_578 = tpu.memref_slice %arg8[%dma_start3A_576, %dma_start3A_577] : memref<192x128xf32, #tpu.memory_space<vmem>> -> memref<64x128xf32, #tpu.memory_space<vmem>>
      %dma_start3A_579 = arith.constant 0 : i32
      %dma_start3A_580 = tpu.memref_slice %arg6[%dma_start3A_575, %dma_start3A_579] : memref<3x64xi32, #tpu.memory_space<vmem>> -> memref<1x64xi32, #tpu.memory_space<vmem>>
      %dma_start3A_581 = tpu.memref_squeeze %dma_start3A_580 : memref<1x64xi32, #tpu.memory_space<vmem>> -> memref<64xi32, #tpu.memory_space<vmem>>
      %dma_start3A_582 = arith.constant 0 : i32
      %dma_start3A_583 = arith.constant 0 : i32
      %dma_start3A_584 = tpu.memref_slice %arg2[%dma_start3A_582, %dma_start3A_583] : memref<10240x128xf32, #tpu.memory_space<hbm>> -> memref<10240x128xf32, #tpu.memory_space<hbm>>
      tpu.enqueue_indirect_dma source(%dma_start3A_584 : memref<10240x128xf32, #tpu.memory_space<hbm>>) target(%dma_start3A_578 : memref<64x128xf32, #tpu.memory_space<vmem>>) offsets(%dma_start3A_581 : memref<64xi32, #tpu.memory_space<vmem>>) semaphore(%arg10 : memref<!tpu.dma_semaphore, #tpu.memory_space<semaphore_mem>>)
    }
    %scan3A_250 = arith.constant 52 : i32
    %dma_wait3A = arith.constant 0 : i32
    %dma_wait3A_251 = arith.constant 0 : i32
    %dma_wait3A_252 = tpu.memref_slice %arg8[%dma_wait3A, %dma_wait3A_251] : memref<192x128xf32, #tpu.memory_space<vmem>> -> memref<64x128xf32, #tpu.memory_space<vmem>>
    %dma_wait3A_253 = arith.constant 0 : i32
    %dma_wait3A_254 = arith.constant 0 : i32
    %dma_wait3A_255 = tpu.memref_slice %arg2[%dma_wait3A_253, %dma_wait3A_254] : memref<10240x128xf32, #tpu.memory_space<hbm>> -> memref<64x128xf32, #tpu.memory_space<hbm>>
    %dma_wait3A_256 = arith.constant 0 : i32
    %dma_wait3A_257 = arith.constant 0 : i32
    %dma_wait3A_258 = tpu.memref_slice %arg8[%dma_wait3A_256, %dma_wait3A_257] : memref<192x128xf32, #tpu.memory_space<vmem>> -> memref<64x128xf32, #tpu.memory_space<vmem>>
    %dma_wait3A_259 = arith.constant 0 : i32
    %dma_wait3A_260 = arith.constant 0 : i32
    %dma_wait3A_261 = tpu.memref_slice %arg2[%dma_wait3A_259, %dma_wait3A_260] : memref<10240x128xf32, #tpu.memory_space<hbm>> -> memref<64x128xf32, #tpu.memory_space<hbm>>
    tpu.wait_dma2 semaphore(%arg10 : memref<!tpu.dma_semaphore, #tpu.memory_space<semaphore_mem>>) src(%dma_wait3A_261 : memref<64x128xf32, #tpu.memory_space<hbm>>) dst(%dma_wait3A_258 : memref<64x128xf32, #tpu.memory_space<vmem>>)
    %run_scoped3A = arith.constant 0 : i32
    "tpu.region"() ({
      %run_scoped3A_293 = tpu.sem_alloc : memref<!tpu.dma_semaphore, #tpu.memory_space<semaphore_mem>>
      %dma_start3A_294 = arith.constant 0 : i32
      %dma_start3A_295 = arith.constant 0 : i32
      %dma_start3A_296 = tpu.memref_slice %arg8[%dma_start3A_294, %dma_start3A_295] : memref<192x128xf32, #tpu.memory_space<vmem>> -> memref<64x128xf32, #tpu.memory_space<vmem>>
      %dma_start3A_297 = arith.constant 0 : i32
      %dma_start3A_298 = tpu.memref_slice %arg7[%run_scoped3A, %dma_start3A_297] : memref<3x64xi32, #tpu.memory_space<vmem>> -> memref<1x64xi32, #tpu.memory_space<vmem>>
      %dma_start3A_299 = tpu.memref_squeeze %dma_start3A_298 : memref<1x64xi32, #tpu.memory_space<vmem>> -> memref<64xi32, #tpu.memory_space<vmem>>
      %dma_start3A_300 = arith.constant 0 : i32
      %dma_start3A_301 = arith.constant 0 : i32
      %dma_start3A_302 = tpu.memref_slice %arg9[%dma_start3A_300, %dma_start3A_301] : memref<10240x128xf32, #tpu.memory_space<vmem_shared>> -> memref<10240x128xf32, #tpu.memory_space<vmem_shared>>
      tpu.enqueue_indirect_dma source(%dma_start3A_296 : memref<64x128xf32, #tpu.memory_space<vmem>>) target(%dma_start3A_302 : memref<10240x128xf32, #tpu.memory_space<vmem_shared>>) offsets(%dma_start3A_299 : memref<64xi32, #tpu.memory_space<vmem>>) semaphore(%run_scoped3A_293 : memref<!tpu.dma_semaphore, #tpu.memory_space<semaphore_mem>>) {add = true}
      %dma_wait3A_303 = arith.constant 0 : i32
      %dma_wait3A_304 = arith.constant 0 : i32
      %dma_wait3A_305 = tpu.memref_slice %arg8[%dma_wait3A_303, %dma_wait3A_304] : memref<192x128xf32, #tpu.memory_space<vmem>> -> memref<64x128xf32, #tpu.memory_space<vmem>>
      %dma_wait3A_306 = arith.constant 0 : i32
      %dma_wait3A_307 = tpu.memref_slice %arg7[%run_scoped3A, %dma_wait3A_306] : memref<3x64xi32, #tpu.memory_space<vmem>> -> memref<1x64xi32, #tpu.memory_space<vmem>>
      %dma_wait3A_308 = tpu.memref_squeeze %dma_wait3A_307 : memref<1x64xi32, #tpu.memory_space<vmem>> -> memref<64xi32, #tpu.memory_space<vmem>>
      %dma_wait3A_309 = arith.constant 0 : i32
      %dma_wait3A_310 = arith.constant 0 : i32
      %dma_wait3A_311 = tpu.memref_slice %arg9[%dma_wait3A_309, %dma_wait3A_310] : memref<10240x128xf32, #tpu.memory_space<vmem_shared>> -> memref<10240x128xf32, #tpu.memory_space<vmem_shared>>
      tpu.wait_indirect_dma semaphore(%run_scoped3A_293 : memref<!tpu.dma_semaphore, #tpu.memory_space<semaphore_mem>>) src(%dma_wait3A_305 : memref<64x128xf32, #tpu.memory_space<vmem>>) dst(%dma_wait3A_311 : memref<10240x128xf32, #tpu.memory_space<vmem_shared>>)
      tpu.yield
    }) : () -> ()
    %dma_wait3A_262 = arith.constant 64 : i32
    %dma_wait3A_263 = arith.constant 0 : i32
    %dma_wait3A_264 = tpu.memref_slice %arg8[%dma_wait3A_262, %dma_wait3A_263] : memref<192x128xf32, #tpu.memory_space<vmem>> -> memref<64x128xf32, #tpu.memory_space<vmem>>
    %dma_wait3A_265 = arith.constant 0 : i32
    %dma_wait3A_266 = arith.constant 0 : i32
    %dma_wait3A_267 = tpu.memref_slice %arg2[%dma_wait3A_265, %dma_wait3A_266] : memref<10240x128xf32, #tpu.memory_space<hbm>> -> memref<64x128xf32, #tpu.memory_space<hbm>>
    %dma_wait3A_268 = arith.constant 64 : i32
    %dma_wait3A_269 = arith.constant 0 : i32
    %dma_wait3A_270 = tpu.memref_slice %arg8[%dma_wait3A_268, %dma_wait3A_269] : memref<192x128xf32, #tpu.memory_space<vmem>> -> memref<64x128xf32, #tpu.memory_space<vmem>>
    %dma_wait3A_271 = arith.constant 0 : i32
    %dma_wait3A_272 = arith.constant 0 : i32
    %dma_wait3A_273 = tpu.memref_slice %arg2[%dma_wait3A_271, %dma_wait3A_272] : memref<10240x128xf32, #tpu.memory_space<hbm>> -> memref<64x128xf32, #tpu.memory_space<hbm>>
    tpu.wait_dma2 semaphore(%arg10 : memref<!tpu.dma_semaphore, #tpu.memory_space<semaphore_mem>>) src(%dma_wait3A_273 : memref<64x128xf32, #tpu.memory_space<hbm>>) dst(%dma_wait3A_270 : memref<64x128xf32, #tpu.memory_space<vmem>>)
    %run_scoped3A_274 = arith.constant 1 : i32
    "tpu.region"() ({
      %run_scoped3A_293 = tpu.sem_alloc : memref<!tpu.dma_semaphore, #tpu.memory_space<semaphore_mem>>
      %dma_start3A_294 = arith.constant 64 : i32
      %dma_start3A_295 = arith.constant 0 : i32
      %dma_start3A_296 = tpu.memref_slice %arg8[%dma_start3A_294, %dma_start3A_295] : memref<192x128xf32, #tpu.memory_space<vmem>> -> memref<64x128xf32, #tpu.memory_space<vmem>>
      %dma_start3A_297 = arith.constant 0 : i32
      %dma_start3A_298 = tpu.memref_slice %arg7[%run_scoped3A_274, %dma_start3A_297] : memref<3x64xi32, #tpu.memory_space<vmem>> -> memref<1x64xi32, #tpu.memory_space<vmem>>
      %dma_start3A_299 = tpu.memref_squeeze %dma_start3A_298 : memref<1x64xi32, #tpu.memory_space<vmem>> -> memref<64xi32, #tpu.memory_space<vmem>>
      %dma_start3A_300 = arith.constant 0 : i32
      %dma_start3A_301 = arith.constant 0 : i32
      %dma_start3A_302 = tpu.memref_slice %arg9[%dma_start3A_300, %dma_start3A_301] : memref<10240x128xf32, #tpu.memory_space<vmem_shared>> -> memref<10240x128xf32, #tpu.memory_space<vmem_shared>>
      tpu.enqueue_indirect_dma source(%dma_start3A_296 : memref<64x128xf32, #tpu.memory_space<vmem>>) target(%dma_start3A_302 : memref<10240x128xf32, #tpu.memory_space<vmem_shared>>) offsets(%dma_start3A_299 : memref<64xi32, #tpu.memory_space<vmem>>) semaphore(%run_scoped3A_293 : memref<!tpu.dma_semaphore, #tpu.memory_space<semaphore_mem>>) {add = true}
      %dma_wait3A_303 = arith.constant 64 : i32
      %dma_wait3A_304 = arith.constant 0 : i32
      %dma_wait3A_305 = tpu.memref_slice %arg8[%dma_wait3A_303, %dma_wait3A_304] : memref<192x128xf32, #tpu.memory_space<vmem>> -> memref<64x128xf32, #tpu.memory_space<vmem>>
      %dma_wait3A_306 = arith.constant 0 : i32
      %dma_wait3A_307 = tpu.memref_slice %arg7[%run_scoped3A_274, %dma_wait3A_306] : memref<3x64xi32, #tpu.memory_space<vmem>> -> memref<1x64xi32, #tpu.memory_space<vmem>>
      %dma_wait3A_308 = tpu.memref_squeeze %dma_wait3A_307 : memref<1x64xi32, #tpu.memory_space<vmem>> -> memref<64xi32, #tpu.memory_space<vmem>>
      %dma_wait3A_309 = arith.constant 0 : i32
      %dma_wait3A_310 = arith.constant 0 : i32
      %dma_wait3A_311 = tpu.memref_slice %arg9[%dma_wait3A_309, %dma_wait3A_310] : memref<10240x128xf32, #tpu.memory_space<vmem_shared>> -> memref<10240x128xf32, #tpu.memory_space<vmem_shared>>
      tpu.wait_indirect_dma semaphore(%run_scoped3A_293 : memref<!tpu.dma_semaphore, #tpu.memory_space<semaphore_mem>>) src(%dma_wait3A_305 : memref<64x128xf32, #tpu.memory_space<vmem>>) dst(%dma_wait3A_311 : memref<10240x128xf32, #tpu.memory_space<vmem_shared>>)
      tpu.yield
    }) : () -> ()
    %dma_wait3A_275 = arith.constant 128 : i32
    %dma_wait3A_276 = arith.constant 0 : i32
    %dma_wait3A_277 = tpu.memref_slice %arg8[%dma_wait3A_275, %dma_wait3A_276] : memref<192x128xf32, #tpu.memory_space<vmem>> -> memref<64x128xf32, #tpu.memory_space<vmem>>
    %dma_wait3A_278 = arith.constant 0 : i32
    %dma_wait3A_279 = arith.constant 0 : i32
    %dma_wait3A_280 = tpu.memref_slice %arg2[%dma_wait3A_278, %dma_wait3A_279] : memref<10240x128xf32, #tpu.memory_space<hbm>> -> memref<64x128xf32, #tpu.memory_space<hbm>>
    %dma_wait3A_281 = arith.constant 128 : i32
    %dma_wait3A_282 = arith.constant 0 : i32
    %dma_wait3A_283 = tpu.memref_slice %arg8[%dma_wait3A_281, %dma_wait3A_282] : memref<192x128xf32, #tpu.memory_space<vmem>> -> memref<64x128xf32, #tpu.memory_space<vmem>>
    %dma_wait3A_284 = arith.constant 0 : i32
    %dma_wait3A_285 = arith.constant 0 : i32
    %dma_wait3A_286 = tpu.memref_slice %arg2[%dma_wait3A_284, %dma_wait3A_285] : memref<10240x128xf32, #tpu.memory_space<hbm>> -> memref<64x128xf32, #tpu.memory_space<hbm>>
    tpu.wait_dma2 semaphore(%arg10 : memref<!tpu.dma_semaphore, #tpu.memory_space<semaphore_mem>>) src(%dma_wait3A_286 : memref<64x128xf32, #tpu.memory_space<hbm>>) dst(%dma_wait3A_283 : memref<64x128xf32, #tpu.memory_space<vmem>>)
    %run_scoped3A_287 = arith.constant 2 : i32
    "tpu.region"() ({
      %run_scoped3A_293 = tpu.sem_alloc : memref<!tpu.dma_semaphore, #tpu.memory_space<semaphore_mem>>
      %dma_start3A_294 = arith.constant 128 : i32
      %dma_start3A_295 = arith.constant 0 : i32
      %dma_start3A_296 = tpu.memref_slice %arg8[%dma_start3A_294, %dma_start3A_295] : memref<192x128xf32, #tpu.memory_space<vmem>> -> memref<64x128xf32, #tpu.memory_space<vmem>>
      %dma_start3A_297 = arith.constant 0 : i32
      %dma_start3A_298 = tpu.memref_slice %arg7[%run_scoped3A_287, %dma_start3A_297] : memref<3x64xi32, #tpu.memory_space<vmem>> -> memref<1x64xi32, #tpu.memory_space<vmem>>
      %dma_start3A_299 = tpu.memref_squeeze %dma_start3A_298 : memref<1x64xi32, #tpu.memory_space<vmem>> -> memref<64xi32, #tpu.memory_space<vmem>>
      %dma_start3A_300 = arith.constant 0 : i32
      %dma_start3A_301 = arith.constant 0 : i32
      %dma_start3A_302 = tpu.memref_slice %arg9[%dma_start3A_300, %dma_start3A_301] : memref<10240x128xf32, #tpu.memory_space<vmem_shared>> -> memref<10240x128xf32, #tpu.memory_space<vmem_shared>>
      tpu.enqueue_indirect_dma source(%dma_start3A_296 : memref<64x128xf32, #tpu.memory_space<vmem>>) target(%dma_start3A_302 : memref<10240x128xf32, #tpu.memory_space<vmem_shared>>) offsets(%dma_start3A_299 : memref<64xi32, #tpu.memory_space<vmem>>) semaphore(%run_scoped3A_293 : memref<!tpu.dma_semaphore, #tpu.memory_space<semaphore_mem>>) {add = true}
      %dma_wait3A_303 = arith.constant 128 : i32
      %dma_wait3A_304 = arith.constant 0 : i32
      %dma_wait3A_305 = tpu.memref_slice %arg8[%dma_wait3A_303, %dma_wait3A_304] : memref<192x128xf32, #tpu.memory_space<vmem>> -> memref<64x128xf32, #tpu.memory_space<vmem>>
      %dma_wait3A_306 = arith.constant 0 : i32
      %dma_wait3A_307 = tpu.memref_slice %arg7[%run_scoped3A_287, %dma_wait3A_306] : memref<3x64xi32, #tpu.memory_space<vmem>> -> memref<1x64xi32, #tpu.memory_space<vmem>>
      %dma_wait3A_308 = tpu.memref_squeeze %dma_wait3A_307 : memref<1x64xi32, #tpu.memory_space<vmem>> -> memref<64xi32, #tpu.memory_space<vmem>>
      %dma_wait3A_309 = arith.constant 0 : i32
      %dma_wait3A_310 = arith.constant 0 : i32
      %dma_wait3A_311 = tpu.memref_slice %arg9[%dma_wait3A_309, %dma_wait3A_310] : memref<10240x128xf32, #tpu.memory_space<vmem_shared>> -> memref<10240x128xf32, #tpu.memory_space<vmem_shared>>
      tpu.wait_indirect_dma semaphore(%run_scoped3A_293 : memref<!tpu.dma_semaphore, #tpu.memory_space<semaphore_mem>>) src(%dma_wait3A_305 : memref<64x128xf32, #tpu.memory_space<vmem>>) dst(%dma_wait3A_311 : memref<10240x128xf32, #tpu.memory_space<vmem_shared>>)
      tpu.yield
    }) : () -> ()
    %barrier3A_288 = arith.constant 0 : index
    tpu.barrier barrier_id(%barrier3A_288)
    %mul3A_289 = arith.constant 640 : i32
    %mul3A_290 = arith.muli %arg1, %mul3A_289 : i32
    %mul3A_291 = arith.constant 640 : i32
    %mul3A_292 = arith.muli %arg1, %mul3A_291 : i32
    "tpu.region"() ({
      %run_scoped3A_293 = tpu.sem_alloc : memref<!tpu.dma_semaphore, #tpu.memory_space<semaphore_mem>>
      %dma_start3A_294 = arith.constant 0 : i32
      %dma_start3A_295 = tpu.memref_slice %arg4[%arg0, %mul3A_292, %dma_start3A_294] : memref<2x10240x128xf32, #tpu.memory_space<hbm>> -> memref<1x640x128xf32, #tpu.memory_space<hbm>>
      %dma_start3A_296 = tpu.memref_squeeze %dma_start3A_295 : memref<1x640x128xf32, #tpu.memory_space<hbm>> -> memref<640x128xf32, #tpu.memory_space<hbm>>
      %dma_start3A_297 = arith.constant 0 : i32
      %dma_start3A_298 = tpu.memref_slice %arg9[%mul3A_290, %dma_start3A_297] : memref<10240x128xf32, #tpu.memory_space<vmem_shared>> -> memref<640x128xf32, #tpu.memory_space<vmem_shared>>
      tpu.enqueue_dma source(%dma_start3A_298 : memref<640x128xf32, #tpu.memory_space<vmem_shared>>) target(%dma_start3A_296 : memref<640x128xf32, #tpu.memory_space<hbm>>) target_semaphore(%run_scoped3A_293 : memref<!tpu.dma_semaphore, #tpu.memory_space<semaphore_mem>>)
      %dma_wait3A_299 = arith.constant 0 : i32
      %dma_wait3A_300 = tpu.memref_slice %arg4[%arg0, %mul3A_292, %dma_wait3A_299] : memref<2x10240x128xf32, #tpu.memory_space<hbm>> -> memref<1x640x128xf32, #tpu.memory_space<hbm>>
      %dma_wait3A_301 = tpu.memref_squeeze %dma_wait3A_300 : memref<1x640x128xf32, #tpu.memory_space<hbm>> -> memref<640x128xf32, #tpu.memory_space<hbm>>
      %dma_wait3A_302 = arith.constant 0 : i32
      %dma_wait3A_303 = tpu.memref_slice %arg9[%mul3A_290, %dma_wait3A_302] : memref<10240x128xf32, #tpu.memory_space<vmem_shared>> -> memref<640x128xf32, #tpu.memory_space<vmem_shared>>
      tpu.wait_dma2 semaphore(%run_scoped3A_293 : memref<!tpu.dma_semaphore, #tpu.memory_space<semaphore_mem>>) src(%dma_wait3A_303 : memref<640x128xf32, #tpu.memory_space<vmem_shared>>) dst(%dma_wait3A_301 : memref<640x128xf32, #tpu.memory_space<hbm>>)
      tpu.yield
    }) : () -> ()
    return
  }
}

module attributes {stable_mosaic.version = 14 : i64} {
  func.func @xform_body(%arg0: i32, %arg1: memref<512x128xf32, #tpu.memory_space<vmem>>, %arg2: memref<128x128xf32, #tpu.memory_space<vmem>>, %arg3: memref<32x512xf32, #tpu.memory_space<vmem>>, %arg4: memref<512x128xf32, #tpu.memory_space<vmem>>) attributes {dimension_semantics = [#tpu.dimension_semantics<arbitrary>], iteration_bounds = array<i64: 20>, scalar_prefetch = 0 : i64, scratch_operands = 0 : i64, tpu.core_type = #tpu.core_type<tc>, window_params = [{transform_indices = @transform_0, window_bounds = array<i64: 512, 128>}, {pipeline_mode = #tpu.pipeline_mode<synchronous>, transform_indices = @transform_1, window_bounds = array<i64: 128, 128>}, {transform_indices = @transform_2, window_bounds = array<i64: 32, 512>}, {transform_indices = @transform_3, window_bounds = array<i64: 512, 128>}]} {
    %get3A = arith.constant 0 : index
    %get3A_0 = arith.constant 0 : index
    %get3A_1 = vector.load %arg3[%get3A, %get3A_0] : memref<32x512xf32, #tpu.memory_space<vmem>>, vector<32x512xf32>
    %reduce_sum3A = arith.constant dense<0.000000e+00> : vector<512xf32>
    %reduce_sum3A_2 = vector.multi_reduction <add>, %get3A_1, %reduce_sum3A [0] : vector<32x512xf32> to vector<512xf32>
    %add3A = arith.constant 1.000000e+00 : f32
    %add3A_3 = vector.broadcast %add3A : f32 to vector<512xf32>
    %add3A_4 = arith.addf %reduce_sum3A_2, %add3A_3 : vector<512xf32>
    %rsqrt3A = math.rsqrt %add3A_4 : vector<512xf32>
    %get3A_5 = arith.constant 0 : index
    %get3A_6 = arith.constant 0 : index
    %get3A_7 = vector.load %arg1[%get3A_5, %get3A_6] : memref<512x128xf32, #tpu.memory_space<vmem>>, vector<512x128xf32>
    %get3A_8 = arith.constant 0 : index
    %get3A_9 = arith.constant 0 : index
    %get3A_10 = vector.load %arg2[%get3A_8, %get3A_9] : memref<128x128xf32, #tpu.memory_space<vmem>>, vector<128x128xf32>
    %dot_general3A = arith.constant dense<0.000000e+00> : vector<512x128xf32>
    %dot_general3A_11 = tpu.matmul %get3A_7, %get3A_10, %dot_general3A {dimension_numbers = #tpu.dot_dimension_numbers<[1], [0], [0], [1], [0, 0, 1, 1], [], []>, transpose_lhs_hint = false} : vector<512x128xf32>, vector<128x128xf32>, vector<512x128xf32> -> vector<512x128xf32>
    %broadcast_in_dim3A = vector.shape_cast %rsqrt3A : vector<512xf32> to vector<512x1xf32>
    %mul3A = vector.broadcast %broadcast_in_dim3A : vector<512x1xf32> to vector<512x128xf32>
    %mul3A_12 = arith.mulf %dot_general3A_11, %mul3A : vector<512x128xf32>
    %swap3A = arith.constant 0 : index
    %swap3A_13 = arith.constant 0 : index
    %swap3A_14 = vector.load %arg4[%swap3A, %swap3A_13] : memref<512x128xf32, #tpu.memory_space<vmem>>, vector<512x128xf32>
    tpu.vector_store %arg4[%swap3A, %swap3A_13], %mul3A_12 {strides = array<i32>} : memref<512x128xf32, #tpu.memory_space<vmem>>, vector<512x128xf32>,
    return
  }
  func.func @transform_0(%arg0: i32) -> (i32, i32) {
    %c0_i32 = arith.constant 0 : i32
    %c0_i32_0 = arith.constant 0 : i32
    return %arg0, %c0_i32 : i32, i32
  }
  func.func @transform_1(%arg0: i32) -> (i32, i32) {
    %c0_i32 = arith.constant 0 : i32
    %c0_i32_0 = arith.constant 0 : i32
    %c0_i32_1 = arith.constant 0 : i32
    return %c0_i32, %c0_i32_0 : i32, i32
  }
  func.func @transform_2(%arg0: i32) -> (i32, i32) {
    %c0_i32 = arith.constant 0 : i32
    %c0_i32_0 = arith.constant 0 : i32
    return %c0_i32, %arg0 : i32, i32
  }
  func.func @transform_3(%arg0: i32) -> (i32, i32) {
    %c0_i32 = arith.constant 0 : i32
    %c0_i32_0 = arith.constant 0 : i32
    return %arg0, %c0_i32 : i32, i32
  }
}

module attributes {stable_mosaic.version = 14 : i64} {
  func.func @final_body(%arg0: i32, %arg1: memref<2x1024x128xf32, #tpu.memory_space<vmem>>, %arg2: memref<1024x128xf32, #tpu.memory_space<vmem>>, %arg3: memref<32x1024xf32, #tpu.memory_space<vmem>>, %arg4: memref<1x128xf32, #tpu.memory_space<vmem>>, %arg5: memref<1024x128xf32, #tpu.memory_space<vmem>>) attributes {dimension_semantics = [#tpu.dimension_semantics<arbitrary>], iteration_bounds = array<i64: 10>, scalar_prefetch = 0 : i64, scratch_operands = 0 : i64, tpu.core_type = #tpu.core_type<tc>, window_params = [{transform_indices = @transform_0, window_bounds = array<i64: 2, 1024, 128>}, {transform_indices = @transform_1, window_bounds = array<i64: 1024, 128>}, {transform_indices = @transform_2, window_bounds = array<i64: 32, 1024>}, {pipeline_mode = #tpu.pipeline_mode<synchronous>, transform_indices = @transform_3, window_bounds = array<i64: 1, 128>}, {transform_indices = @transform_4, window_bounds = array<i64: 1024, 128>}]} {
    %get3A = arith.constant 0 : index
    %get3A_0 = arith.constant 0 : index
    %get3A_1 = vector.load %arg3[%get3A, %get3A_0] : memref<32x1024xf32, #tpu.memory_space<vmem>>, vector<32x1024xf32>
    %reduce_sum3A = arith.constant dense<0.000000e+00> : vector<1024xf32>
    %reduce_sum3A_2 = vector.multi_reduction <add>, %get3A_1, %reduce_sum3A [0] : vector<32x1024xf32> to vector<1024xf32>
    %add3A = arith.constant 1.000000e+00 : f32
    %add3A_3 = vector.broadcast %add3A : f32 to vector<1024xf32>
    %add3A_4 = arith.addf %reduce_sum3A_2, %add3A_3 : vector<1024xf32>
    %rsqrt3A = math.rsqrt %add3A_4 : vector<1024xf32>
    %get3A_5 = arith.constant 0 : index
    %get3A_6 = arith.constant 0 : index
    %get3A_7 = arith.constant 0 : index
    %get3A_8 = vector.load %arg1[%get3A_5, %get3A_6, %get3A_7] : memref<2x1024x128xf32, #tpu.memory_space<vmem>>, vector<2x1024x128xf32>
    %reduce_sum3A_9 = arith.constant dense<0.000000e+00> : vector<1024x128xf32>
    %reduce_sum3A_10 = vector.multi_reduction <add>, %get3A_8, %reduce_sum3A_9 [0] : vector<2x1024x128xf32> to vector<1024x128xf32>
    %get3A_11 = arith.constant 0 : index
    %get3A_12 = arith.constant 0 : index
    %get3A_13 = vector.load %arg2[%get3A_11, %get3A_12] : memref<1024x128xf32, #tpu.memory_space<vmem>>, vector<1024x128xf32>
    %sub3A = arith.subf %reduce_sum3A_10, %get3A_13 : vector<1024x128xf32>
    %broadcast_in_dim3A = vector.shape_cast %rsqrt3A : vector<1024xf32> to vector<1024x1xf32>
    %mul3A = vector.broadcast %broadcast_in_dim3A : vector<1024x1xf32> to vector<1024x128xf32>
    %mul3A_14 = arith.mulf %sub3A, %mul3A : vector<1024x128xf32>
    %get3A_15 = arith.constant 0 : index
    %get3A_16 = arith.constant 0 : index
    %get3A_17 = vector.load %arg4[%get3A_15, %get3A_16] : memref<1x128xf32, #tpu.memory_space<vmem>>, vector<1x128xf32>
    %add3A_18 = vector.broadcast %get3A_17 : vector<1x128xf32> to vector<1024x128xf32>
    %add3A_19 = arith.addf %mul3A_14, %add3A_18 : vector<1024x128xf32>
    %max3A = arith.constant 0.000000e+00 : f32
    %max3A_20 = vector.broadcast %max3A : f32 to vector<1024x128xf32>
    %max3A_21 = arith.maximumf %add3A_19, %max3A_20 : vector<1024x128xf32>
    %swap3A = arith.constant 0 : index
    %swap3A_22 = arith.constant 0 : index
    %swap3A_23 = vector.load %arg5[%swap3A, %swap3A_22] : memref<1024x128xf32, #tpu.memory_space<vmem>>, vector<1024x128xf32>
    tpu.vector_store %arg5[%swap3A, %swap3A_22], %max3A_21 {strides = array<i32>} : memref<1024x128xf32, #tpu.memory_space<vmem>>, vector<1024x128xf32>,
    return
  }
  func.func @transform_0(%arg0: i32) -> (i32, i32, i32) {
    %c0_i32 = arith.constant 0 : i32
    %c0_i32_0 = arith.constant 0 : i32
    %c0_i32_1 = arith.constant 0 : i32
    return %c0_i32, %arg0, %c0_i32_0 : i32, i32, i32
  }
  func.func @transform_1(%arg0: i32) -> (i32, i32) {
    %c0_i32 = arith.constant 0 : i32
    %c0_i32_0 = arith.constant 0 : i32
    return %arg0, %c0_i32 : i32, i32
  }
  func.func @transform_2(%arg0: i32) -> (i32, i32) {
    %c0_i32 = arith.constant 0 : i32
    %c0_i32_0 = arith.constant 0 : i32
    return %c0_i32, %arg0 : i32, i32
  }
  func.func @transform_3(%arg0: i32) -> (i32, i32) {
    %c0_i32 = arith.constant 0 : i32
    %c0_i32_0 = arith.constant 0 : i32
    %c0_i32_1 = arith.constant 0 : i32
    return %c0_i32, %c0_i32_0 : i32, i32
  }
  func.func @transform_4(%arg0: i32) -> (i32, i32) {
    %c0_i32 = arith.constant 0 : i32
    %c0_i32_0 = arith.constant 0 : i32
    return %arg0, %c0_i32 : i32, i32
  }
}

</mosaic_0001>

<sc_bundles>
// kernel: kernel.6.cloned.1.call-start
scs
__scs_entry_jumppad:
0x0: {  	(pc) =	sbr.rel $0x88, $3  }
0x1: {  	(tag) =	ssettag $0x0;
	lr =	simm.s32 $0x1  }
0x2: {  	[smem:$0x3F9D] =	sst lr;
	_ =	strace $0xD0000000  }
0x3: {  	_ = 	snop  }
0x4: {  	_ = 	snop  }
0x5: {  	_ = 	snop  }
0x6: {  	_ = 	snop  }
0x7: {  	_ = 	snop  }
__scs_overlays_trampoline_lowered:
0x8: {  	[smem:$0x3FAC] =	sst s0  }
0x9: {  	[smem:$0x3FAD] =	sst s1  }
0xa: {  	[smem:$0x3FAE] =	sst s2  }
0xb: {  	[smem:$0x3FAF] =	sst s3  }
0xc: {  	[smem:$0x3FB0] =	sst s4  }
0xd: {  	[smem:$0x3FB1] =	sst s5  }
0xe: {  	[smem:$0x3FB2] =	sst s6  }
0xf: {  	[smem:$0x3FB3] =	sst s7  }
0x10: {  	[smem:$0x3FB4] =	sst s8  }
0x11: {  	[smem:$0x3FB5] =	sst s9;
	s0 =	simm.s32 @!p0 $0x0  }
0x12: {  	s1 =	sld [smem:$0x3F9B];
	s0 =	simm.s32 @p0 $0x1  }
0x13: {  	[smem:$0x3FB6] =	sst s0;
	s0 =	simm.s32 @!p1 $0x0  }
0x14: {  	s2 =	sld [smem:$0x3F9A];
	s0 =	simm.s32 @p1 $0x1  }
0x15: {  	[smem:$0x3FB7] =	sst s0;
	s0 =	simm.s32 @!p2 $0x0  }
0x16: {  	s3 =	sld [smem:$0x3FDB];
	s0 =	simm.s32 @p2 $0x1  }
0x17: {  	s4 =	simm.s32 $0x1BF5;
	[smem:$0x3FB9] =	sst s0  }
0x18: {  	s0 =	sld [smem:$0x3F9C];
	_ =	swait.ge [sflag:s4], $0x0  }
0x19: {  	s7 =	sld [smem:$0x3F9D]  }
0x1a: {  	s8 =	sadd.s32 $0xFFFFE003, lr  }
0x1b: {  	s9 =	sadd.s32 $0xFFFFFEF7, lr;
	s5 =	simm.s32 $0xFFFFFFFF;
	p2 =	slt.u32 s8, $0xFFFFF086  }
0x1c: {  	p1 =	slt.u32 s9, $0xF7A;
	s5 =	simm.s32 @!p2 $0x0  }
0x1d: {  	s5 =	simm.s32 @p1 $0x1;
	p0 =	seq.s32 s7, s2  }
0x1e: {  	s7 =	smul.u32 @!p0 $0xF7A, s2;
	p2 =	seq.s32 @!p0 s5, $0x0  }
0x1f: {  	s9 =	smul.u32 $0xF7A, s1;
	s8 =	simm.s32 @!p0 $0x1BF5;
	p2 =	por !p2, p0  }
0x20: {  	[sflag:s8] =	ssyncset.s32 @!p0 $0xFFFFF086;
	s6 =	sadd.s32 @!p0 s3, s7;
	s7 =	simm.s32 @!p0 $0x108  }
0x21: {  	s3 =	sadd.s32 s3, s9;
	s6 =	sadd.s32 @!p0 $0x88, s6;
	s7 =	simm.s32 @p2 $0x1082  }
0x22: {  	[simem:s7], [sflag:s8] =	dma.local @!p0 [hbm:s6], $0xF7A  }
0x23: {  	s9 =	sor.u32 $0xD0000000, s2;
	s6 =	simm.s32 $0x108;
	_ =	swait.ge @!p0 [sflag:s8], $0x0  }
0x24: {  	s3 =	sadd.s32 $0x88, s3;
	s6 =	simm.s32 @!p1 $0x1082;
	[sflag:s4] =	ssyncset.s32 $0xFFFFF086  }
0x25: {  	[simem:s6], [sflag:s4] =	dma.local [hbm:s3], $0xF7A  }
0x26: {  	[smem:$0x3F9D] =	sst s1;
	(tag) =	ssettag s2;
	_ =	strace s9  }
0x27: {  	s1 =	sld [smem:$0x3FAD]  }
0x28: {  	s2 =	sld [smem:$0x3FAE]  }
0x29: {  	s4 =	sld [smem:$0x3FB0]  }
0x2a: {  	p0 =	seq.s32 s5, $0x0;
	s5 =	sld [smem:$0x3FB1]  }
0x2b: {  	s6 =	sld [smem:$0x3FB2]  }
0x2c: {  	s7 =	sld [smem:$0x3FB3]  }
0x2d: {  	s3 =	simm.s32 $0x108;
	s8 =	sld [smem:$0x3FB4]  }
0x2e: {  	s3 =	simm.s32 @!p0 $0x1082;
	s9 =	sld [smem:$0x3FB5]  }
0x2f: {  	lr =	sadd.s32 s0, s3;
	s0 =	sld [smem:$0x3FAC]  }
0x30: {  	s3 =	sld [smem:$0x3FAF]  }
0x31: {  	[smem:$0x3FB8] =	sst s10  }
0x32: {  	s10 =	sld [smem:$0x3FB6];
	_ =	sdelay $0x3  }
0x33: {  	p0 =	seq.s32 s10, $0x1;
	s10 =	sld [smem:$0x3FB8];
	_ =	sdelay $0x3  }
0x34: {  	[smem:$0x3FB8] =	sst s10  }
0x35: {  	s10 =	sld [smem:$0x3FB7];
	_ =	sdelay $0x3  }
0x36: {  	p1 =	seq.s32 s10, $0x1;
	s10 =	sld [smem:$0x3FB8];
	_ =	sdelay $0x3  }
0x37: {  	[smem:$0x3FB8] =	sst s10  }
0x38: {  	s10 =	sld [smem:$0x3FB9]  }
0x39: {  	_ = 	snop;
	(pc) =	sbr.ind lr, $3  }
0x3a: {  	_ = 	snop  }
0x3b: {  	_ = 	snop  }
0x3c: {  	p2 =	seq.s32 s10, $0x1;
	s10 =	sld [smem:$0x3FB8]  }
0x3d: {  	_ =	shalt  }
0x3e: {  	_ =	shalt  }
0x3f: {  	_ =	shalt  }
0x40: {  	_ =	shalt  }
0x41: {  	_ =	shalt  }
0x42: {  	_ =	shalt  }
0x43: {  	_ =	shalt  }
0x44: {  	_ =	shalt  }
0x45: {  	_ =	shalt  }
0x46: {  	_ =	shalt  }
0x47: {  	_ =	shalt  }
0x48: {  	_ =	shalt  }
0x49: {  	_ =	shalt  }
0x4a: {  	_ =	shalt  }
0x4b: {  	_ =	shalt  }
0x4c: {  	_ =	shalt  }
0x4d: {  	_ =	shalt  }
0x4e: {  	_ =	shalt  }
0x4f: {  	_ =	shalt  }
0x50: {  	_ =	shalt  }
0x51: {  	_ =	shalt  }
0x52: {  	_ =	shalt  }
0x53: {  	_ =	shalt  }
0x54: {  	_ =	shalt  }
0x55: {  	_ =	shalt  }
0x56: {  	_ =	shalt  }
0x57: {  	_ =	shalt  }
0x58: {  	_ =	shalt  }
0x59: {  	_ =	shalt  }
0x5a: {  	_ =	shalt  }
0x5b: {  	_ =	shalt  }
0x5c: {  	_ =	shalt  }
0x5d: {  	_ =	shalt  }
0x5e: {  	_ =	shalt  }
0x5f: {  	_ =	shalt  }
0x60: {  	_ =	shalt  }
0x61: {  	_ =	shalt  }
0x62: {  	_ =	shalt  }
0x63: {  	_ =	shalt  }
0x64: {  	_ =	shalt  }
0x65: {  	_ =	shalt  }
0x66: {  	_ =	shalt  }
0x67: {  	_ =	shalt  }
0x68: {  	_ =	shalt  }
0x69: {  	_ =	shalt  }
0x6a: {  	_ =	shalt  }
0x6b: {  	_ =	shalt  }
0x6c: {  	_ =	shalt  }
0x6d: {  	_ =	shalt  }
0x6e: {  	_ =	shalt  }
0x6f: {  	_ =	shalt  }
0x70: {  	_ =	shalt  }
0x71: {  	_ =	shalt  }
0x72: {  	_ =	shalt  }
0x73: {  	_ =	shalt  }
0x74: {  	_ =	shalt  }
0x75: {  	_ =	shalt  }
0x76: {  	_ =	shalt  }
0x77: {  	_ =	shalt  }
0x78: {  	_ =	shalt  }
0x79: {  	_ =	shalt  }
0x7a: {  	_ =	shalt  }
0x7b: {  	_ =	shalt  }
0x7c: {  	_ =	shalt  }
0x7d: {  	_ =	shalt  }
0x7e: {  	_ =	shalt  }
0x7f: {  	_ =	shalt  }
0x80: {  	_ =	shalt  }
0x81: {  	_ =	shalt  }
0x82: {  	_ =	shalt  }
0x83: {  	_ =	shalt  }
0x84: {  	_ =	shalt  }
0x85: {  	_ =	shalt  }
0x86: {  	_ =	shalt  }
0x87: {  	_ =	shalt  }
.Lfunc_end0:
.L_simem_size_0:
called_computation_lowered:
.L_overlay_start_0:
0x88: {  	s2 =	sld [smem:$0x3FD9]  }
0x89: {  	s3 =	sld [smem:$0x3FFE];
	_ =	sdelay $0x1  }
0x8a: {  	s1 =	srdreg.scid  }
0x8b: {  	s0 =	sand.u32 $0x1, s1  }
0x8c: {  	s17 =	sshll.u32 s0, $0xA;
	s2 =	sadd.s32 s3, s2  }
0x8d: {  	s2 =	sadd.s32 s2, s17  }
0x8e: {  	[smem:$0x3FC4] =	sst s2  }
0x8f: {  	_ = 	snop  }
0x90: {  	s2 =	sld [smem:$0x3FD0];
	(tm) =	ssettm $0x1  }
0x91: {  	s18 =	sld [smem:$0x3FFB];
	_ =	sdelay $0x3  }
0x92: {  	_ =	strace s18  }
0x93: {  	s3 =	sld [smem:$0x3FFC];
	_ =	sdelay $0x3  }
0x94: {  	_ =	strace s3  }
0x95: {  	s3 =	sld [smem:$0x3FFD];
	_ =	sdelay $0x3  }
0x96: {  	_ =	strace s3  }
0x97: {  	_ =	strace $0x8FFFFFFF  }
0x98: {  	s19 =	sld [smem:$0x3FDB];
	_ =	sdelay $0x1  }
0x99: {  	s4 =	simm.s32 $_scs_section_size  }
0x9a: {  	s5 =	simm.s32 $_size__tile_overlayer_lowered;
	s6 =	simm.s32 $_tile_overlayer_lowered  }
0x9b: {  	s22 =	simm.s32 $0x1BFF;
	s21 =	sshll.u32 s6, $0x1;
	s3 =	sadd.s32 s4, s19  }
0x9c: {  	s7 =	simm.s32 $0x0;
	s20 =	sshll.u32 s5, $0x1;
	s5 =	sadd.s32 s21, s3  }
0x9d: {  	[timem:s7], [sflag:s22] =	dma.local [hbm:s5], s20  }
0x9e: {  	_ =	swait.ge [sflag:s22], s20  }
0x9f: {  	s4 =	ssub.s32 $0x0, s20;
	[sflag:s22] =	ssyncset.done $0x0  }
0xa0: {  	[sflag:s22] =	ssyncadd.s32 s4;
	_ =	sdelay $0x1  }
0xa1: {  	s23 =	simm.s32 $0x1B8B  }
0xa2: {  	_ =	swait.ge [sflag:s23], $0x1  }
0xa3: {  	[sflag:s23] =	ssyncset.done $0x0  }
0xa4: {  	s25 =	simm.s32 $0x1B8E;
	s24 =	sld [smem:$0x3FFE];
	[sflag:s23] =	ssyncadd.s32 $0xFFFFFFFF  }
0xa5: {  	s26 =	simm.s32 $execute0_lowered;
	[smem:$0x3FD2] =	sst s25  }
0xa6: {  	s5 =	sshll.u32 s26, $0x1;
	_ =	strace $0x80000046;
	[dreg:$0x1] =	wrdreg $0xFFFFFFFF  }
0xa7: {  	s28 =	simm.s32 $_size_execute0_lowered;
	s3 =	sadd.s32 s3, s5;
	[dreg:$0x0] =	wrdreg $0x0  }
0xa8: {  	s5 =	sshll.u32 s28, $0x1;
	[dreg:$0x2] =	wrdreg s3  }
0xa9: {  	[dreg:$0x3] =	wrdreg s5  }
0xaa: {  	[dreg:$0x4] =	wrdreg $0xC0  }
0xab: {  	_ =	task [dreg:s7], $0x5FFFF  }
0xac: {  	[dreg:$0x1] =	wrdreg $0xFFFFFFFF  }
0xad: {  	[dreg:$0x0] =	wrdreg $0x60  }
0xae: {  	[dreg:$0x2] =	wrdreg s2  }
0xaf: {  	[dreg:$0x3] =	wrdreg s24  }
0xb0: {  	[dreg:$0x4] =	wrdreg $0x9  }
0xb1: {  	_ =	task.clear_ibuf [dreg:s7], $0x5FFFF;
	_ =	strace $0x90000046  }
0xb2: {  	s29 =	simm.s32 $0x9;
	_ =	strace $0x80000048  }
0xb3: {  	_ =	swait.ge [sflag:s29], $0x1  }
0xb4: {  	[sflag:s29] =	ssyncadd.s32 $0xFFFFFFFF  }
0xb5: {  	_ =	strace $0x90000048  }
0xb6: {  	_ =	sfence  }
0xb7: {  	s30 =	sld [smem:$0x0];
	_ =	sdelay $0x2  }
0xb8: {  	s31 =	sshll.u32 s1, $0xD;
	s1 =	sshrl.u32 s1, $0x2  }
0xb9: {  	s3 =	sand.u32 $0x4000, s31;
	s1 =	sadd.s32 s1, s30  }
0xba: {  	s0 =	sor.u32 s3, s0;
	s1 =	sshll.u32 s1, $0x11  }
0xbb: {  	s0 =	sor.u32 s1, s0  }
0xbc: {  	s0 =	sadd.s32 $0x8F2B, s0  }
0xbd: {  	[sflag:s0] =	ssyncadd.remote.s32 $0x1  }
0xbe: {  	_ =	sfence.sel $0xFFFF  }
0xbf: {  	[dreg:$0x0] =	wrdreg $0xFFFFFFFF;
	(pc) =	sbr.abs _section_cstart, $3  }
0xc0: {  	[dreg:$0x1] =	wrdreg $0xFFFFFFFF  }
0xc1: {  	_ =	task.clear_ibuf [dreg:s7], $0x2FFFF;
	_ =	strace $0x9FFFFFFF  }
0xc2: {  	(tm) =	ssettm $0x7FFFFFFF  }
0xc3: {  	_ =	shalt  }
tec
execute0_lowered:
.L_overlay_start_1:
0x0: {  	(tag) =	ssettag $0x1  }
0x1: {  	s1 =	srdreg.scid  }
0x2: {  	s0 =	stileid.u32;
	s4 =	rddreg [dreg:$0x0]  }
0x3: {  	s6 =	rddreg [dreg:$0x1];
	s3 =	sand.u32 $0x1, s1;
	s29 =	sshll.u32 s0, $0x1  }
0x4: {  	s2 =	simm.s32 $0x0;
	s30 =	sshrl.u32 s0, $0x2;
	s5 =	sor.u32 s3, s29  }
0x5: {  	s9 =	simm.s32 $0x400;
	s7 =	smul.u32 $0x14000, s30;
	s8 =	sshll.u32 s5, $0x7  }
0x6: {  	s10 =	simm.s32 $0x0;
	s1 =	rddreg [dreg:$0x2];
	s8 =	sand.u32 $0x380, s8  }
0x7: {  	[smem:$0x7FF] =	sst s2;
	s3 =	ssub.s32 $0x2, s3;
	s7 =	sor.u32 s7, s8  }
0x8: {  	_ =	strace $0x80000047;
	s5 =	smul.u32 $0xA00, s5;
	s7 =	sshrl.u32 s7, $0x3  }
0x9: {  	s31 =	sshrl.u32 s3, $0x1;
	s8 =	simm.s32 $0x80;
	s6 =	sadd.s32 s7, s6  }
0xa: {  	s7 =	ssub.s32 s3, s31;
	s3 =	sadd.s32 s4, s5;
	s4 =	sadd.s32 $0x1800, s6  }
0xb: {  	v0 =	vimm.f32 $0.0e+00;
	v1 =	vimm.f32 $1.000000000e+00;
	s5 =	smax.u32 s7, $0x1;
	s6 =	simm.s32 $0x1;
	s7 =	simm.s32 $0x5000  }
.LBB2_1:
0xc: {  	[tilespmem:s2], [sflag:$0x1] =	stream.linear.gather [hbm4b:s3+s2], $0x4F80, $0x38;
	[tilespmem:$0x7800] =	vst v63  }
0xd: {  	_ =	swait.ge [sflag:s6], $0x4F80  }
0xe: {  	[sflag:s6] =	ssyncset.done $0x0  }
0xf: {  	s11 =	simm.s32 $0x0;
	[sflag:s6] =	ssyncadd.s32 $0xFFFFB080  }
.LBB2_2:
0x10: {  	p0 =	sne.s32 s11, $0x9FC0  }
.Ltmp0:
0x11: {  	_ = 	snop;
	(pc) =	sbr.rel @p0 .LBB2_2-.Ltmp0, $3  }
0x12: {  	_ =	sdelay $0x1  }
0x13: {  	s12 =	sshra.s32 s11, $0x2  }
0x14: {  	s11 =	sadd.s32 $0x40, s11;
	[tilespmem:s12+$0x5000] =	vst v0  }
0x15: {  	s11 =	simm.s32 $0x0  }
.LBB2_4:
0x16: {  	s12 =	sshra.s32 s11, $0x2  }
0x17: {  	v2 =	vld [tilespmem:s12+$0x0];
	_ =	sdelay $0x7  }
0x18: {  	[tilespmem:v2+s7+$0x0] =	vst.idx.add.f32.msk $0xffff, v1  }
0x19: {  	v2 =	vld [tilespmem:s12+$0x10];
	_ =	sdelay $0x7  }
0x1a: {  	[tilespmem:v2+s7+$0x0] =	vst.idx.add.f32.msk $0xffff, v1  }
0x1b: {  	v2 =	vld [tilespmem:s12+$0x20];
	_ =	sdelay $0x7  }
0x1c: {  	[tilespmem:v2+s7+$0x0] =	vst.idx.add.f32.msk $0xffff, v1  }
0x1d: {  	v2 =	vld [tilespmem:s12+$0x30];
	_ =	sdelay $0x2  }
0x1e: {  	p0 =	sne.s32 s11, $0x13C00  }
.Ltmp1:
0x1f: {  	_ = 	snop;
	(pc) =	sbr.rel @p0 .LBB2_4-.Ltmp1, $2  }
0x20: {  	_ =	sdelay $0x2  }
0x21: {  	s11 =	sadd.s32 $0x200, s11;
	[tilespmem:v2+s7+$0x0] =	vst.idx.add.f32.msk $0xffff, v1  }
0x22: {  	s10 =	sadd.s32 $0x1, s10  }
0x23: {  	p0 =	sne.s32 s10, s5  }
.Ltmp2:
0x24: {  	_ = 	snop;
	(pc) =	sbr.rel @p0 .LBB2_1-.Ltmp2, $4  }
0x25: {  	[hbm4b:s4+s8] =	stream.strided.scatter [tilespmem:s7], [sflag:$0x1], $0x2800, s9, s8, $0x38;
	[tilespmem:$0x7800] =	vst v63  }
0x26: {  	_ =	swait.ge [sflag:s6], $0x2800  }
0x27: {  	[sflag:s6] =	ssyncset.done $0x0  }
0x28: {  	[sflag:s6] =	ssyncadd.s32 $0xFFFFD800  }
0x29: {  	_ =	sfence.sel $0x180000  }
0x2a: {  	[bflag:$0x0] =	sbarrier.arrive $0xFFFF  }
0x2b: {  	p0 =	sne.s32 s0, $0x0;
	_ =	strace $0x90000047  }
0x2c: {  	s0 =	sadd.s32 @!p0 $0x100000, s1;
	[bflag:$0x2] =	sbarrier.arrive $0xFFFF  }
0x2d: {  	[sflag:s0] =	ssyncadd.tile.s32 @!p0 $0x1;
	_ =	shalt  }
.Lfunc_end2:
_tile_overlayer_lowered:
.L_overlay_start_2:
0x2e: {  	(tag) =	ssettag $0x2  }
0x2f: {  	s0 =	rddreg [dreg:$0x0];
	s2 =	stileid.u32  }
0x30: {  	s1 =	rddreg [dreg:$0x1];
	p0 =	sne.s32 s2, $0x0  }
0x31: {  	s3 =	rddreg [dreg:$0x2];
	[bflag:$0x3] =	sbarrier.arrive $0xFFFF;
	s2 =	simm.s32 @!p0 $0x1C01  }
0x32: {  	[timem:s3], [sflag:s2] =	dma.local @!p0 [hbm:s0], s1  }
0x33: {  	s0 =	simm.s32 @!p0 $0x1  }
0x34: {  	_ =	swait.ge @!p0 [sflag:s0], s1  }
0x35: {  	s1 =	ssub.s32 @!p0 $0x0, s1;
	[sflag:s0] =	ssyncset.done @!p0 $0x0  }
0x36: {  	[sflag:s0] =	ssyncadd.s32 @!p0 s1  }
0x37: {  	[bflag:$0x3] =	sbarrier.arrive $0xFFFF  }
0x38: {  	_ =	shalt  }

// kernel: kernel.9.cloned.1.call-start
scs
__scs_entry_jumppad:
0x0: {  	(pc) =	sbr.rel $0x88, $3  }
0x1: {  	(tag) =	ssettag $0x0;
	lr =	simm.s32 $0x1  }
0x2: {  	[smem:$0x3F9D] =	sst lr;
	_ =	strace $0xD0000000  }
0x3: {  	_ = 	snop  }
0x4: {  	_ = 	snop  }
0x5: {  	_ = 	snop  }
0x6: {  	_ = 	snop  }
0x7: {  	_ = 	snop  }
__scs_overlays_trampoline_lowered:
0x8: {  	[smem:$0x3FAC] =	sst s0  }
0x9: {  	[smem:$0x3FAD] =	sst s1  }
0xa: {  	[smem:$0x3FAE] =	sst s2  }
0xb: {  	[smem:$0x3FAF] =	sst s3  }
0xc: {  	[smem:$0x3FB0] =	sst s4  }
0xd: {  	[smem:$0x3FB1] =	sst s5  }
0xe: {  	[smem:$0x3FB2] =	sst s6  }
0xf: {  	[smem:$0x3FB3] =	sst s7  }
0x10: {  	[smem:$0x3FB4] =	sst s8  }
0x11: {  	[smem:$0x3FB5] =	sst s9;
	s0 =	simm.s32 @!p0 $0x0  }
0x12: {  	s1 =	sld [smem:$0x3F9B];
	s0 =	simm.s32 @p0 $0x1  }
0x13: {  	[smem:$0x3FB6] =	sst s0;
	s0 =	simm.s32 @!p1 $0x0  }
0x14: {  	s2 =	sld [smem:$0x3F9A];
	s0 =	simm.s32 @p1 $0x1  }
0x15: {  	[smem:$0x3FB7] =	sst s0;
	s0 =	simm.s32 @!p2 $0x0  }
0x16: {  	s3 =	sld [smem:$0x3FDB];
	s0 =	simm.s32 @p2 $0x1  }
0x17: {  	s4 =	simm.s32 $0x1BF5;
	[smem:$0x3FB9] =	sst s0  }
0x18: {  	s0 =	sld [smem:$0x3F9C];
	_ =	swait.ge [sflag:s4], $0x0  }
0x19: {  	s7 =	sld [smem:$0x3F9D]  }
0x1a: {  	s8 =	sadd.s32 $0xFFFFE003, lr  }
0x1b: {  	s9 =	sadd.s32 $0xFFFFFEF7, lr;
	s5 =	simm.s32 $0xFFFFFFFF;
	p2 =	slt.u32 s8, $0xFFFFF086  }
0x1c: {  	p1 =	slt.u32 s9, $0xF7A;
	s5 =	simm.s32 @!p2 $0x0  }
0x1d: {  	s5 =	simm.s32 @p1 $0x1;
	p0 =	seq.s32 s7, s2  }
0x1e: {  	s7 =	smul.u32 @!p0 $0xF7A, s2;
	p2 =	seq.s32 @!p0 s5, $0x0  }
0x1f: {  	s9 =	smul.u32 $0xF7A, s1;
	s8 =	simm.s32 @!p0 $0x1BF5;
	p2 =	por !p2, p0  }
0x20: {  	[sflag:s8] =	ssyncset.s32 @!p0 $0xFFFFF086;
	s6 =	sadd.s32 @!p0 s3, s7;
	s7 =	simm.s32 @!p0 $0x108  }
0x21: {  	s3 =	sadd.s32 s3, s9;
	s6 =	sadd.s32 @!p0 $0x88, s6;
	s7 =	simm.s32 @p2 $0x1082  }
0x22: {  	[simem:s7], [sflag:s8] =	dma.local @!p0 [hbm:s6], $0xF7A  }
0x23: {  	s9 =	sor.u32 $0xD0000000, s2;
	s6 =	simm.s32 $0x108;
	_ =	swait.ge @!p0 [sflag:s8], $0x0  }
0x24: {  	s3 =	sadd.s32 $0x88, s3;
	s6 =	simm.s32 @!p1 $0x1082;
	[sflag:s4] =	ssyncset.s32 $0xFFFFF086  }
0x25: {  	[simem:s6], [sflag:s4] =	dma.local [hbm:s3], $0xF7A  }
0x26: {  	[smem:$0x3F9D] =	sst s1;
	(tag) =	ssettag s2;
	_ =	strace s9  }
0x27: {  	s1 =	sld [smem:$0x3FAD]  }
0x28: {  	s2 =	sld [smem:$0x3FAE]  }
0x29: {  	s4 =	sld [smem:$0x3FB0]  }
0x2a: {  	p0 =	seq.s32 s5, $0x0;
	s5 =	sld [smem:$0x3FB1]  }
0x2b: {  	s6 =	sld [smem:$0x3FB2]  }
0x2c: {  	s7 =	sld [smem:$0x3FB3]  }
0x2d: {  	s3 =	simm.s32 $0x108;
	s8 =	sld [smem:$0x3FB4]  }
0x2e: {  	s3 =	simm.s32 @!p0 $0x1082;
	s9 =	sld [smem:$0x3FB5]  }
0x2f: {  	lr =	sadd.s32 s0, s3;
	s0 =	sld [smem:$0x3FAC]  }
0x30: {  	s3 =	sld [smem:$0x3FAF]  }
0x31: {  	[smem:$0x3FB8] =	sst s10  }
0x32: {  	s10 =	sld [smem:$0x3FB6];
	_ =	sdelay $0x3  }
0x33: {  	p0 =	seq.s32 s10, $0x1;
	s10 =	sld [smem:$0x3FB8];
	_ =	sdelay $0x3  }
0x34: {  	[smem:$0x3FB8] =	sst s10  }
0x35: {  	s10 =	sld [smem:$0x3FB7];
	_ =	sdelay $0x3  }
0x36: {  	p1 =	seq.s32 s10, $0x1;
	s10 =	sld [smem:$0x3FB8];
	_ =	sdelay $0x3  }
0x37: {  	[smem:$0x3FB8] =	sst s10  }
0x38: {  	s10 =	sld [smem:$0x3FB9]  }
0x39: {  	_ = 	snop;
	(pc) =	sbr.ind lr, $3  }
0x3a: {  	_ = 	snop  }
0x3b: {  	_ = 	snop  }
0x3c: {  	p2 =	seq.s32 s10, $0x1;
	s10 =	sld [smem:$0x3FB8]  }
0x3d: {  	_ =	shalt  }
0x3e: {  	_ =	shalt  }
0x3f: {  	_ =	shalt  }
0x40: {  	_ =	shalt  }
0x41: {  	_ =	shalt  }
0x42: {  	_ =	shalt  }
0x43: {  	_ =	shalt  }
0x44: {  	_ =	shalt  }
0x45: {  	_ =	shalt  }
0x46: {  	_ =	shalt  }
0x47: {  	_ =	shalt  }
0x48: {  	_ =	shalt  }
0x49: {  	_ =	shalt  }
0x4a: {  	_ =	shalt  }
0x4b: {  	_ =	shalt  }
0x4c: {  	_ =	shalt  }
0x4d: {  	_ =	shalt  }
0x4e: {  	_ =	shalt  }
0x4f: {  	_ =	shalt  }
0x50: {  	_ =	shalt  }
0x51: {  	_ =	shalt  }
0x52: {  	_ =	shalt  }
0x53: {  	_ =	shalt  }
0x54: {  	_ =	shalt  }
0x55: {  	_ =	shalt  }
0x56: {  	_ =	shalt  }
0x57: {  	_ =	shalt  }
0x58: {  	_ =	shalt  }
0x59: {  	_ =	shalt  }
0x5a: {  	_ =	shalt  }
0x5b: {  	_ =	shalt  }
0x5c: {  	_ =	shalt  }
0x5d: {  	_ =	shalt  }
0x5e: {  	_ =	shalt  }
0x5f: {  	_ =	shalt  }
0x60: {  	_ =	shalt  }
0x61: {  	_ =	shalt  }
0x62: {  	_ =	shalt  }
0x63: {  	_ =	shalt  }
0x64: {  	_ =	shalt  }
0x65: {  	_ =	shalt  }
0x66: {  	_ =	shalt  }
0x67: {  	_ =	shalt  }
0x68: {  	_ =	shalt  }
0x69: {  	_ =	shalt  }
0x6a: {  	_ =	shalt  }
0x6b: {  	_ =	shalt  }
0x6c: {  	_ =	shalt  }
0x6d: {  	_ =	shalt  }
0x6e: {  	_ =	shalt  }
0x6f: {  	_ =	shalt  }
0x70: {  	_ =	shalt  }
0x71: {  	_ =	shalt  }
0x72: {  	_ =	shalt  }
0x73: {  	_ =	shalt  }
0x74: {  	_ =	shalt  }
0x75: {  	_ =	shalt  }
0x76: {  	_ =	shalt  }
0x77: {  	_ =	shalt  }
0x78: {  	_ =	shalt  }
0x79: {  	_ =	shalt  }
0x7a: {  	_ =	shalt  }
0x7b: {  	_ =	shalt  }
0x7c: {  	_ =	shalt  }
0x7d: {  	_ =	shalt  }
0x7e: {  	_ =	shalt  }
0x7f: {  	_ =	shalt  }
0x80: {  	_ =	shalt  }
0x81: {  	_ =	shalt  }
0x82: {  	_ =	shalt  }
0x83: {  	_ =	shalt  }
0x84: {  	_ =	shalt  }
0x85: {  	_ =	shalt  }
0x86: {  	_ =	shalt  }
0x87: {  	_ =	shalt  }
.Lfunc_end0:
.L_simem_size_0:
called_computation.1_lowered:
.L_overlay_start_0:
0x88: {  	s2 =	sld [smem:$0x3FD9]  }
0x89: {  	s3 =	sld [smem:$0x3FFE];
	_ =	sdelay $0x1  }
0x8a: {  	s1 =	srdreg.scid  }
0x8b: {  	s0 =	sand.u32 $0x1, s1  }
0x8c: {  	s16 =	sshll.u32 s0, $0xA;
	s2 =	sadd.s32 s3, s2  }
0x8d: {  	s2 =	sadd.s32 s2, s16  }
0x8e: {  	[smem:$0x3FC4] =	sst s2  }
0x8f: {  	_ = 	snop  }
0x90: {  	(tm) =	ssettm $0x1  }
0x91: {  	s17 =	sld [smem:$0x3FFB];
	_ =	sdelay $0x3  }
0x92: {  	_ =	strace s17  }
0x93: {  	s2 =	sld [smem:$0x3FFC];
	_ =	sdelay $0x3  }
0x94: {  	_ =	strace s2  }
0x95: {  	s2 =	sld [smem:$0x3FFD];
	_ =	sdelay $0x3  }
0x96: {  	_ =	strace s2  }
0x97: {  	_ =	strace $0x8FFFFFFF  }
0x98: {  	s18 =	sld [smem:$0x3FDB];
	_ =	sdelay $0x1  }
0x99: {  	s19 =	simm.s32 $_scs_section_size  }
0x9a: {  	s4 =	simm.s32 $_size__tile_overlayer_lowered;
	s5 =	simm.s32 $_tile_overlayer_lowered  }
0x9b: {  	s22 =	simm.s32 $0x1BFF;
	s21 =	sshll.u32 s5, $0x1;
	s2 =	sadd.s32 s19, s18  }
0x9c: {  	s6 =	simm.s32 $0x0;
	s20 =	sshll.u32 s4, $0x1;
	s4 =	sadd.s32 s21, s2  }
0x9d: {  	[timem:s6], [sflag:s22] =	dma.local [hbm:s4], s20  }
0x9e: {  	_ =	swait.ge [sflag:s22], s20  }
0x9f: {  	s3 =	ssub.s32 $0x0, s20;
	[sflag:s22] =	ssyncset.done $0x0  }
0xa0: {  	[sflag:s22] =	ssyncadd.s32 s3;
	_ =	sdelay $0x1  }
0xa1: {  	s23 =	simm.s32 $0x1B8B  }
0xa2: {  	_ =	swait.ge [sflag:s23], $0x1  }
0xa3: {  	[sflag:s23] =	ssyncset.done $0x0  }
0xa4: {  	s25 =	simm.s32 $0x1B8E;
	s24 =	sld [smem:$0x3FFE];
	[sflag:s23] =	ssyncadd.s32 $0xFFFFFFFF  }
0xa5: {  	s26 =	simm.s32 $execute0_lowered;
	[smem:$0x3FD2] =	sst s25  }
0xa6: {  	s4 =	sshll.u32 s26, $0x1;
	_ =	strace $0x80000049;
	[dreg:$0x1] =	wrdreg $0xFFFFFFFF  }
0xa7: {  	s28 =	simm.s32 $_size_execute0_lowered;
	s2 =	sadd.s32 s2, s4;
	[dreg:$0x0] =	wrdreg $0x0  }
0xa8: {  	s4 =	sshll.u32 s28, $0x1;
	[dreg:$0x2] =	wrdreg s2  }
0xa9: {  	[dreg:$0x3] =	wrdreg s4  }
0xaa: {  	[dreg:$0x4] =	wrdreg $0xC0  }
0xab: {  	_ =	task [dreg:s6], $0x5FFFF  }
0xac: {  	[dreg:$0x1] =	wrdreg $0xFFFFFFFF  }
0xad: {  	[dreg:$0x0] =	wrdreg $0x60  }
0xae: {  	[dreg:$0x2] =	wrdreg s24  }
0xaf: {  	[dreg:$0x3] =	wrdreg $0xB4000  }
0xb0: {  	[dreg:$0x4] =	wrdreg $0x9  }
0xb1: {  	_ =	task.clear_ibuf [dreg:s6], $0x5FFFF;
	_ =	strace $0x90000049  }
0xb2: {  	s29 =	simm.s32 $0x9;
	_ =	strace $0x8000004B  }
0xb3: {  	_ =	swait.ge [sflag:s29], $0x1  }
0xb4: {  	[sflag:s29] =	ssyncadd.s32 $0xFFFFFFFF  }
0xb5: {  	_ =	strace $0x9000004B  }
0xb6: {  	_ =	sfence  }
0xb7: {  	s30 =	sld [smem:$0x0];
	_ =	sdelay $0x2  }
0xb8: {  	s31 =	sshll.u32 s1, $0xD;
	s1 =	sshrl.u32 s1, $0x2  }
0xb9: {  	s3 =	sand.u32 $0x4000, s31;
	s1 =	sadd.s32 s1, s30  }
0xba: {  	s0 =	sor.u32 s3, s0;
	s1 =	sshll.u32 s1, $0x11  }
0xbb: {  	s0 =	sor.u32 s1, s0  }
0xbc: {  	s0 =	sadd.s32 $0x8F2B, s0  }
0xbd: {  	[sflag:s0] =	ssyncadd.remote.s32 $0x1  }
0xbe: {  	_ =	sfence.sel $0xFFFF  }
0xbf: {  	[dreg:$0x0] =	wrdreg $0xFFFFFFFF;
	(pc) =	sbr.abs _section_cstart, $3  }
0xc0: {  	[dreg:$0x1] =	wrdreg $0xFFFFFFFF  }
0xc1: {  	_ =	task.clear_ibuf [dreg:s6], $0x2FFFF;
	_ =	strace $0x9FFFFFFF  }
0xc2: {  	(tm) =	ssettm $0x7FFFFFFF  }
0xc3: {  	_ =	shalt  }
tec
execute0_lowered:
.L_overlay_start_1:
0x0: {  	(tag) =	ssettag $0x1  }
0x1: {  	s5 =	rddreg [dreg:$0x0]  }
0x2: {  	s2 =	rddreg [dreg:$0x1]  }
0x3: {  	s0 =	rddreg [dreg:$0x2];
	s4 =	srdreg.scid  }
0x4: {  	s1 =	stileid.u32;
	s3 =	simm.s32 $0x0;
	s12 =	simm.s32 $0x40  }
0x5: {  	s13 =	simm.s32 $0x5000;
	s14 =	simm.s32 $0x5400;
	s15 =	simm.s32 $0x5080  }
0x6: {  	s16 =	simm.s32 $0x7400;
	s17 =	simm.s32 $0x5100;
	s18 =	simm.s32 $0x9400  }
0x7: {  	s19 =	simm.s32 $0x1;
	s20 =	simm.s32 $0x5200;
	s21 =	simm.s32 $0x5280  }
0x8: {  	s22 =	simm.s32 $0x5300;
	s23 =	simm.s32 $0x0;
	s6 =	sand.u32 $0x1, s4  }
0x9: {  	s7 =	smul.u32 $0x14000, s1;
	[smem:$0x7FF] =	sst s3;
	s26 =	sshll.u32 s1, $0x1  }
0xa: {  	s4 =	sadd.s32 $0x1F800, s5;
	s10 =	smul.u32 $0x50000, s1;
	s31 =	sshll.u32 s1, $0x6  }
0xb: {  	s8 =	smul.u32 $0x140000, s6;
	s9 =	sor.u32 s6, s26;
	s6 =	ssub.s32 $0x2, s6  }
0xc: {  	_ =	strace $0x8000004A;
	s9 =	smul.u32 $0xA00, s9;
	s28 =	sshrl.u32 s6, $0x1  }
0xd: {  	s29 =	sshrl.u32 s10, $0x2;
	s30 =	sshrl.u32 s7, $0x3;
	s8 =	sadd.s32 s7, s8  }
0xe: {  	s11 =	ssub.s32 s6, s28;
	s10 =	sadd.s32 s29, s2;
	s6 =	sor.u32 $0x1C02, s31  }
0xf: {  	s8 =	sshrl.u32 s8, $0x3;
	s9 =	sadd.s32 s9, s5;
	s10 =	sshrl.u32 s10, $0x3  }
0x10: {  	s8 =	sadd.s32 s8, s5;
	s5 =	sadd.s32 s4, s30;
	s7 =	sadd.s32 $0xB800, s9  }
0x11: {  	s9 =	smax.u32 s11, $0x1;
	s11 =	simm.s32 $0x2;
	s8 =	sadd.s32 $0x47800, s8  }
.LBB2_1:
0x12: {  	[spmem:s10], [sflag:s6] =	dma.local [hbm:s5], $0x2800  }
0x13: {  	_ =	swait.ge [sflag:s11], $0x2800  }
0x14: {  	[sflag:s11] =	ssyncset.done $0x0  }
0x15: {  	[sflag:s11] =	ssyncadd.s32 $0xFFFFD800  }
0x16: {  	[tilespmem:s3], [sflag:$0x2] =	stream.linear.gather [hbm4b:s7+s3], $0x4F80, $0x38;
	[tilespmem:$0x1F400] =	vst v63  }
0x17: {  	_ =	swait.ge [sflag:s11], $0x4F80  }
0x18: {  	[sflag:s11] =	ssyncset.done $0x0  }
0x19: {  	[sflag:s11] =	ssyncadd.s32 $0xFFFFB080  }
0x1a: {  	[bflag:$0x0] =	sbarrier.arrive $0xFFFF  }
0x1b: {  	v0 =	vld [tilespmem:$0x0];
	_ =	sdelay $0x1  }
0x1c: {  	v1 =	vld [tilespmem:$0x10];
	_ =	sdelay $0x1  }
0x1d: {  	v2 =	vld [tilespmem:$0x20]  }
0x1e: {  	v3 =	vand.u32 $0xFFFF, v0  }
0x1f: {  	v0 =	vshra.s32 v0, $0x10;
	[tilespmem:$0x5000] =	vst v3;
	v3 =	vld [tilespmem:$0x30]  }
0x20: {  	[tilespmem:$0x5200] =	vst v0;
	v0 =	vand.u32 $0xFFFF, v1  }
0x21: {  	[tilespmem:$0x5010] =	vst v0;
	v0 =	vshra.s32 v1, $0x10  }
0x22: {  	[tilespmem:$0x5210] =	vst v0;
	v0 =	vand.u32 $0xFFFF, v2  }
0x23: {  	[tilespmem:$0x5020] =	vst v0;
	v0 =	vshra.s32 v2, $0x10  }
0x24: {  	[tilespmem:$0x5220] =	vst v0;
	v0 =	vand.u32 $0xFFFF, v3  }
0x25: {  	[tilespmem:$0x5030] =	vst v0;
	v0 =	vshra.s32 v3, $0x10  }
0x26: {  	[tilespmem:$0x5230] =	vst v0  }
0x27: {  	[tilespmem:s14], [sflag:$0x1] =	stream.indirect.gather [hbm4b:s4+s12], $0x80, s13, s12, $0xb8;
	[tilespmem:$0x1F400] =	vst v63  }
0x28: {  	v0 =	vld [tilespmem:$0x80];
	_ =	sdelay $0x1  }
0x29: {  	v1 =	vld [tilespmem:$0x90];
	_ =	sdelay $0x1  }
0x2a: {  	v2 =	vld [tilespmem:$0xA0]  }
0x2b: {  	v3 =	vand.u32 $0xFFFF, v0  }
0x2c: {  	v0 =	vshra.s32 v0, $0x10;
	[tilespmem:$0x5080] =	vst v3;
	v3 =	vld [tilespmem:$0xB0]  }
0x2d: {  	[tilespmem:$0x5280] =	vst v0;
	v0 =	vand.u32 $0xFFFF, v1  }
0x2e: {  	[tilespmem:$0x5090] =	vst v0;
	v0 =	vshra.s32 v1, $0x10  }
0x2f: {  	[tilespmem:$0x5290] =	vst v0;
	v0 =	vand.u32 $0xFFFF, v2  }
0x30: {  	[tilespmem:$0x50A0] =	vst v0;
	v0 =	vshra.s32 v2, $0x10  }
0x31: {  	[tilespmem:$0x52A0] =	vst v0;
	v0 =	vand.u32 $0xFFFF, v3  }
0x32: {  	[tilespmem:$0x50B0] =	vst v0;
	v0 =	vshra.s32 v3, $0x10  }
0x33: {  	[tilespmem:$0x52B0] =	vst v0  }
0x34: {  	[tilespmem:s16], [sflag:$0x1] =	stream.indirect.gather [hbm4b:s4+s12], $0x80, s15, s12, $0xb8;
	[tilespmem:$0x1F400] =	vst v63  }
0x35: {  	v0 =	vld [tilespmem:$0x100];
	_ =	sdelay $0x1  }
0x36: {  	v1 =	vld [tilespmem:$0x110];
	_ =	sdelay $0x1  }
0x37: {  	v2 =	vld [tilespmem:$0x120]  }
0x38: {  	v3 =	vand.u32 $0xFFFF, v0  }
0x39: {  	v0 =	vshra.s32 v0, $0x10;
	[tilespmem:$0x5100] =	vst v3;
	v3 =	vld [tilespmem:$0x130]  }
0x3a: {  	[tilespmem:$0x5300] =	vst v0;
	v0 =	vand.u32 $0xFFFF, v1  }
0x3b: {  	[tilespmem:$0x5110] =	vst v0;
	v0 =	vshra.s32 v1, $0x10  }
0x3c: {  	[tilespmem:$0x5310] =	vst v0;
	v0 =	vand.u32 $0xFFFF, v2  }
0x3d: {  	[tilespmem:$0x5120] =	vst v0;
	v0 =	vshra.s32 v2, $0x10  }
0x3e: {  	[tilespmem:$0x5320] =	vst v0;
	v0 =	vand.u32 $0xFFFF, v3  }
0x3f: {  	[tilespmem:$0x5130] =	vst v0;
	v0 =	vshra.s32 v3, $0x10  }
0x40: {  	[tilespmem:$0x5330] =	vst v0  }
0x41: {  	[tilespmem:s18], [sflag:$0x1] =	stream.indirect.gather [hbm4b:s4+s12], $0x80, s17, s12, $0xb8;
	[tilespmem:$0x1F400] =	vst v63  }
0x42: {  	_ =	swait.ge [sflag:s19], $0x2000  }
0x43: {  	[sflag:s19] =	ssyncset.done $0x0  }
0x44: {  	[sflag:s19] =	ssyncadd.s32 $0xFFFFE000  }
0x45: {  	[spmem:s2] =	stream.indirect.scatter.add.f32 [tilespmem:s14], [sflag:$0x2], $0x80, s20, s12, $0xb8;
	[tilespmem:$0x1F400] =	vst v63  }
0x46: {  	_ =	swait.ge [sflag:s11], $0x2000  }
0x47: {  	[sflag:s11] =	ssyncset.done $0x0  }
0x48: {  	s24 =	simm.s32 $0x2B0;
	[sflag:s11] =	ssyncadd.s32 $0xFFFFE000  }
0x49: {  	v0 =	vld [tilespmem:s24+$0xFFFFFED0];
	_ =	sdelay $0x4  }
0x4a: {  	v1 =	vand.u32 $0xFFFF, v0  }
0x4b: {  	v0 =	vshra.s32 v0, $0x10;
	[tilespmem:$0x5000] =	vst v1  }
0x4c: {  	[tilespmem:$0x5200] =	vst v0  }
0x4d: {  	v0 =	vld [tilespmem:s24+$0xFFFFFEE0];
	_ =	sdelay $0x4  }
0x4e: {  	v1 =	vand.u32 $0xFFFF, v0  }
0x4f: {  	v0 =	vshra.s32 v0, $0x10;
	[tilespmem:$0x5010] =	vst v1  }
0x50: {  	[tilespmem:$0x5210] =	vst v0  }
0x51: {  	v0 =	vld [tilespmem:s24+$0xFFFFFEF0];
	_ =	sdelay $0x4  }
0x52: {  	v1 =	vand.u32 $0xFFFF, v0  }
0x53: {  	v0 =	vshra.s32 v0, $0x10;
	[tilespmem:$0x5020] =	vst v1  }
0x54: {  	[tilespmem:$0x5220] =	vst v0  }
0x55: {  	v0 =	vld [tilespmem:s24+$0xFFFFFF00];
	_ =	sdelay $0x4  }
0x56: {  	v1 =	vand.u32 $0xFFFF, v0  }
0x57: {  	v0 =	vshra.s32 v0, $0x10;
	[tilespmem:$0x5030] =	vst v1  }
0x58: {  	[tilespmem:$0x5230] =	vst v0  }
0x59: {  	[tilespmem:s14], [sflag:$0x1] =	stream.indirect.gather [hbm4b:s4+s12], $0x80, s13, s12, $0xb8;
	[tilespmem:$0x1F400] =	vst v63  }
0x5a: {  	_ =	swait.ge [sflag:s19], $0x2000  }
0x5b: {  	[sflag:s19] =	ssyncset.done $0x0  }
0x5c: {  	[sflag:s19] =	ssyncadd.s32 $0xFFFFE000  }
0x5d: {  	[spmem:s2] =	stream.indirect.scatter.add.f32 [tilespmem:s16], [sflag:$0x2], $0x80, s21, s12, $0xb8;
	[tilespmem:$0x1F400] =	vst v63  }
0x5e: {  	_ =	swait.ge [sflag:s11], $0x2000  }
0x5f: {  	[sflag:s11] =	ssyncset.done $0x0  }
0x60: {  	[sflag:s11] =	ssyncadd.s32 $0xFFFFE000  }
0x61: {  	v0 =	vld [tilespmem:s24+$0xFFFFFF50];
	_ =	sdelay $0x4  }
0x62: {  	v1 =	vand.u32 $0xFFFF, v0  }
0x63: {  	v0 =	vshra.s32 v0, $0x10;
	[tilespmem:$0x5080] =	vst v1  }
0x64: {  	[tilespmem:$0x5280] =	vst v0  }
0x65: {  	v0 =	vld [tilespmem:s24+$0xFFFFFF60];
	_ =	sdelay $0x4  }
0x66: {  	v1 =	vand.u32 $0xFFFF, v0  }
0x67: {  	v0 =	vshra.s32 v0, $0x10;
	[tilespmem:$0x5090] =	vst v1  }
0x68: {  	[tilespmem:$0x5290] =	vst v0  }
0x69: {  	v0 =	vld [tilespmem:s24+$0xFFFFFF70];
	_ =	sdelay $0x4  }
0x6a: {  	v1 =	vand.u32 $0xFFFF, v0  }
0x6b: {  	v0 =	vshra.s32 v0, $0x10;
	[tilespmem:$0x50A0] =	vst v1  }
0x6c: {  	[tilespmem:$0x52A0] =	vst v0  }
0x6d: {  	v0 =	vld [tilespmem:s24+$0xFFFFFF80];
	_ =	sdelay $0x4  }
0x6e: {  	v1 =	vand.u32 $0xFFFF, v0  }
0x6f: {  	v0 =	vshra.s32 v0, $0x10;
	[tilespmem:$0x50B0] =	vst v1  }
0x70: {  	[tilespmem:$0x52B0] =	vst v0  }
0x71: {  	[tilespmem:s16], [sflag:$0x1] =	stream.indirect.gather [hbm4b:s4+s12], $0x80, s15, s12, $0xb8;
	[tilespmem:$0x1F400] =	vst v63  }
0x72: {  	_ =	swait.ge [sflag:s19], $0x2000  }
0x73: {  	[sflag:s19] =	ssyncset.done $0x0  }
0x74: {  	[sflag:s19] =	ssyncadd.s32 $0xFFFFE000  }
0x75: {  	[spmem:s2] =	stream.indirect.scatter.add.f32 [tilespmem:s18], [sflag:$0x2], $0x80, s22, s12, $0xb8;
	[tilespmem:$0x1F400] =	vst v63  }
0x76: {  	_ =	swait.ge [sflag:s11], $0x2000  }
0x77: {  	[sflag:s11] =	ssyncset.done $0x0  }
0x78: {  	[sflag:s11] =	ssyncadd.s32 $0xFFFFE000  }
0x79: {  	v0 =	vld [tilespmem:s24+$0xFFFFFFD0];
	_ =	sdelay $0x4  }
0x7a: {  	v1 =	vand.u32 $0xFFFF, v0  }
0x7b: {  	v0 =	vshra.s32 v0, $0x10;
	[tilespmem:$0x5100] =	vst v1  }
0x7c: {  	[tilespmem:$0x5300] =	vst v0  }
0x7d: {  	v0 =	vld [tilespmem:s24+$0xFFFFFFE0];
	_ =	sdelay $0x4  }
0x7e: {  	v1 =	vand.u32 $0xFFFF, v0  }
0x7f: {  	v0 =	vshra.s32 v0, $0x10;
	[tilespmem:$0x5110] =	vst v1  }
0x80: {  	[tilespmem:$0x5310] =	vst v0  }
0x81: {  	s25 =	simm.s32 $0x10C0;
	v0 =	vld [tilespmem:s24+$0xFFFFFFF0]  }
.LBB2_2:
0x82: {  	_ =	sdelay $0x2  }
0x83: {  	p0 =	sne.s32 s25, $0x13CC0;
	s26 =	smov.u32 s25;
	s25 =	sadd.s32 $0x600, s25  }
0x84: {  	v1 =	vand.u32 $0xFFFF, v0;
	v0 =	vshra.s32 v0, $0x10  }
0x85: {  	[tilespmem:$0x5120] =	vst v1  }
0x86: {  	[tilespmem:$0x5320] =	vst v0  }
0x87: {  	v0 =	vld [tilespmem:s24+$0x0];
	_ =	sdelay $0x4  }
0x88: {  	v1 =	vand.u32 $0xFFFF, v0;
	v0 =	vshra.s32 v0, $0x10  }
0x89: {  	[tilespmem:$0x5130] =	vst v1  }
0x8a: {  	[tilespmem:$0x5330] =	vst v0  }
0x8b: {  	[tilespmem:s18], [sflag:$0x1] =	stream.indirect.gather [hbm4b:s4+s12], $0x80, s17, s12, $0xb8;
	[tilespmem:$0x1F400] =	vst v63  }
0x8c: {  	_ =	swait.ge [sflag:s19], $0x2000  }
0x8d: {  	[sflag:s19] =	ssyncset.done $0x0  }
0x8e: {  	[sflag:s19] =	ssyncadd.s32 $0xFFFFE000  }
0x8f: {  	[spmem:s2] =	stream.indirect.scatter.add.f32 [tilespmem:s14], [sflag:$0x2], $0x80, s20, s12, $0xb8;
	[tilespmem:$0x1F400] =	vst v63  }
0x90: {  	_ =	swait.ge [sflag:s11], $0x2000  }
0x91: {  	[sflag:s11] =	ssyncset.done $0x0  }
0x92: {  	s24 =	sshra.s32 s26, $0x2;
	[sflag:s11] =	ssyncadd.s32 $0xFFFFE000  }
0x93: {  	v0 =	vld [tilespmem:s24+$0xFFFFFED0];
	_ =	sdelay $0x4  }
0x94: {  	v1 =	vand.u32 $0xFFFF, v0;
	v0 =	vshra.s32 v0, $0x10  }
0x95: {  	[tilespmem:$0x5000] =	vst v1  }
0x96: {  	[tilespmem:$0x5200] =	vst v0  }
0x97: {  	v0 =	vld [tilespmem:s24+$0xFFFFFEE0];
	_ =	sdelay $0x4  }
0x98: {  	v1 =	vand.u32 $0xFFFF, v0;
	v0 =	vshra.s32 v0, $0x10  }
0x99: {  	[tilespmem:$0x5010] =	vst v1  }
0x9a: {  	[tilespmem:$0x5210] =	vst v0  }
0x9b: {  	v0 =	vld [tilespmem:s24+$0xFFFFFEF0];
	_ =	sdelay $0x4  }
0x9c: {  	v1 =	vand.u32 $0xFFFF, v0;
	v0 =	vshra.s32 v0, $0x10  }
0x9d: {  	[tilespmem:$0x5020] =	vst v1  }
0x9e: {  	[tilespmem:$0x5220] =	vst v0  }
0x9f: {  	v0 =	vld [tilespmem:s24+$0xFFFFFF00];
	_ =	sdelay $0x4  }
0xa0: {  	v1 =	vand.u32 $0xFFFF, v0;
	v0 =	vshra.s32 v0, $0x10  }
0xa1: {  	[tilespmem:$0x5030] =	vst v1  }
0xa2: {  	[tilespmem:$0x5230] =	vst v0  }
0xa3: {  	[tilespmem:s14], [sflag:$0x1] =	stream.indirect.gather [hbm4b:s4+s12], $0x80, s13, s12, $0xb8;
	[tilespmem:$0x1F400] =	vst v63  }
0xa4: {  	_ =	swait.ge [sflag:s19], $0x2000  }
0xa5: {  	[sflag:s19] =	ssyncset.done $0x0  }
0xa6: {  	[sflag:s19] =	ssyncadd.s32 $0xFFFFE000  }
0xa7: {  	[spmem:s2] =	stream.indirect.scatter.add.f32 [tilespmem:s16], [sflag:$0x2], $0x80, s21, s12, $0xb8;
	[tilespmem:$0x1F400] =	vst v63  }
0xa8: {  	_ =	swait.ge [sflag:s11], $0x2000  }
0xa9: {  	[sflag:s11] =	ssyncset.done $0x0  }
0xaa: {  	[sflag:s11] =	ssyncadd.s32 $0xFFFFE000  }
0xab: {  	v0 =	vld [tilespmem:s24+$0xFFFFFF50];
	_ =	sdelay $0x4  }
0xac: {  	v1 =	vand.u32 $0xFFFF, v0;
	v0 =	vshra.s32 v0, $0x10  }
0xad: {  	[tilespmem:$0x5080] =	vst v1  }
0xae: {  	[tilespmem:$0x5280] =	vst v0  }
0xaf: {  	v0 =	vld [tilespmem:s24+$0xFFFFFF60];
	_ =	sdelay $0x4  }
0xb0: {  	v1 =	vand.u32 $0xFFFF, v0;
	v0 =	vshra.s32 v0, $0x10  }
0xb1: {  	[tilespmem:$0x5090] =	vst v1  }
0xb2: {  	[tilespmem:$0x5290] =	vst v0  }
0xb3: {  	v0 =	vld [tilespmem:s24+$0xFFFFFF70];
	_ =	sdelay $0x4  }
0xb4: {  	v1 =	vand.u32 $0xFFFF, v0;
	v0 =	vshra.s32 v0, $0x10  }
0xb5: {  	[tilespmem:$0x50A0] =	vst v1  }
0xb6: {  	[tilespmem:$0x52A0] =	vst v0  }
0xb7: {  	v0 =	vld [tilespmem:s24+$0xFFFFFF80];
	_ =	sdelay $0x4  }
0xb8: {  	v1 =	vand.u32 $0xFFFF, v0;
	v0 =	vshra.s32 v0, $0x10  }
0xb9: {  	[tilespmem:$0x50B0] =	vst v1  }
0xba: {  	[tilespmem:$0x52B0] =	vst v0  }
0xbb: {  	[tilespmem:s16], [sflag:$0x1] =	stream.indirect.gather [hbm4b:s4+s12], $0x80, s15, s12, $0xb8;
	[tilespmem:$0x1F400] =	vst v63  }
0xbc: {  	_ =	swait.ge [sflag:s19], $0x2000  }
0xbd: {  	[sflag:s19] =	ssyncset.done $0x0  }
0xbe: {  	[sflag:s19] =	ssyncadd.s32 $0xFFFFE000  }
0xbf: {  	[spmem:s2] =	stream.indirect.scatter.add.f32 [tilespmem:s18], [sflag:$0x2], $0x80, s22, s12, $0xb8;
	[tilespmem:$0x1F400] =	vst v63  }
0xc0: {  	_ =	swait.ge [sflag:s11], $0x2000  }
0xc1: {  	[sflag:s11] =	ssyncset.done $0x0  }
0xc2: {  	[sflag:s11] =	ssyncadd.s32 $0xFFFFE000  }
0xc3: {  	v0 =	vld [tilespmem:s24+$0xFFFFFFD0];
	_ =	sdelay $0x4  }
0xc4: {  	v1 =	vand.u32 $0xFFFF, v0;
	v0 =	vshra.s32 v0, $0x10  }
0xc5: {  	[tilespmem:$0x5100] =	vst v1  }
0xc6: {  	[tilespmem:$0x5300] =	vst v0  }
0xc7: {  	v0 =	vld [tilespmem:s24+$0xFFFFFFE0];
	_ =	sdelay $0x3  }
.Ltmp0:
0xc8: {  	(pc) =	sbr.rel @p0 .LBB2_2-.Ltmp0, $4  }
0xc9: {  	v1 =	vand.u32 $0xFFFF, v0;
	v0 =	vshra.s32 v0, $0x10  }
0xca: {  	[tilespmem:$0x5110] =	vst v1  }
0xcb: {  	[tilespmem:$0x5310] =	vst v0  }
0xcc: {  	v0 =	vld [tilespmem:s24+$0xFFFFFFF0]  }
0xcd: {  	_ =	sdelay $0x3  }
0xce: {  	v1 =	vand.u32 $0xFFFF, v0  }
0xcf: {  	v62 =	vshra.s32 v0, $0x10;
	[tilespmem:$0x5120] =	vst v1  }
0xd0: {  	[tilespmem:$0x5320] =	vst v62  }
0xd1: {  	v0 =	vld [tilespmem:s24+$0x0];
	_ =	sdelay $0x4  }
0xd2: {  	v63 =	vand.u32 $0xFFFF, v0  }
0xd3: {  	v0 =	vshra.s32 v0, $0x10;
	[tilespmem:$0x5130] =	vst v63  }
0xd4: {  	[tilespmem:$0x5330] =	vst v0  }
0xd5: {  	[tilespmem:s18], [sflag:$0x1] =	stream.indirect.gather [hbm4b:s4+s12], $0x80, s17, s12, $0xb8;
	[tilespmem:$0x1F400] =	vst v63  }
0xd6: {  	_ =	swait.ge [sflag:s19], $0x2000  }
0xd7: {  	[sflag:s19] =	ssyncset.done $0x0  }
0xd8: {  	[sflag:s19] =	ssyncadd.s32 $0xFFFFE000  }
0xd9: {  	[spmem:s2] =	stream.indirect.scatter.add.f32 [tilespmem:s14], [sflag:$0x2], $0x80, s20, s12, $0xb8;
	[tilespmem:$0x1F400] =	vst v63  }
0xda: {  	_ =	swait.ge [sflag:s11], $0x2000  }
0xdb: {  	[sflag:s11] =	ssyncset.done $0x0  }
0xdc: {  	[sflag:s11] =	ssyncadd.s32 $0xFFFFE000  }
0xdd: {  	_ =	swait.ge [sflag:s19], $0x2000  }
0xde: {  	[sflag:s19] =	ssyncset.done $0x0  }
0xdf: {  	[sflag:s19] =	ssyncadd.s32 $0xFFFFE000  }
0xe0: {  	[spmem:s2] =	stream.indirect.scatter.add.f32 [tilespmem:s16], [sflag:$0x2], $0x80, s21, s12, $0xb8;
	[tilespmem:$0x1F400] =	vst v63  }
0xe1: {  	_ =	swait.ge [sflag:s11], $0x2000  }
0xe2: {  	[sflag:s11] =	ssyncset.done $0x0  }
0xe3: {  	[sflag:s11] =	ssyncadd.s32 $0xFFFFE000  }
0xe4: {  	_ =	swait.ge [sflag:s19], $0x2000  }
0xe5: {  	[sflag:s19] =	ssyncset.done $0x0  }
0xe6: {  	[sflag:s19] =	ssyncadd.s32 $0xFFFFE000  }
0xe7: {  	[spmem:s2] =	stream.indirect.scatter.add.f32 [tilespmem:s18], [sflag:$0x2], $0x80, s22, s12, $0xb8;
	[tilespmem:$0x1F400] =	vst v63  }
0xe8: {  	_ =	swait.ge [sflag:s11], $0x2000  }
0xe9: {  	s23 =	sadd.s32 $0x1, s23;
	[sflag:s11] =	ssyncset.done $0x0  }
0xea: {  	p0 =	sne.s32 s23, s9;
	[sflag:s11] =	ssyncadd.s32 $0xFFFFE000  }
.Ltmp1:
0xeb: {  	[bflag:$0x0] =	sbarrier.arrive $0xFFFF;
	(pc) =	sbr.rel @p0 .LBB2_1-.Ltmp1, $4  }
0xec: {  	[hbm:s8], [sflag:s6] =	dma.local [spmem:s10], $0x2800  }
0xed: {  	_ =	swait.ge [sflag:s11], $0x2800  }
0xee: {  	[sflag:s11] =	ssyncset.done $0x0  }
0xef: {  	[sflag:s11] =	ssyncadd.s32 $0xFFFFD800  }
0xf0: {  	_ =	sfence.sel $0x180000  }
0xf1: {  	[bflag:$0x0] =	sbarrier.arrive $0xFFFF  }
0xf2: {  	p0 =	sne.s32 s1, $0x0;
	_ =	strace $0x9000004A  }
0xf3: {  	s0 =	sadd.s32 @!p0 $0x100000, s0;
	[bflag:$0x2] =	sbarrier.arrive $0xFFFF  }
0xf4: {  	[sflag:s0] =	ssyncadd.tile.s32 @!p0 $0x1;
	_ =	shalt  }
.Lfunc_end2:
_tile_overlayer_lowered:
.L_overlay_start_2:
0xf5: {  	(tag) =	ssettag $0x2  }
0xf6: {  	s0 =	rddreg [dreg:$0x0];
	s2 =	stileid.u32  }
0xf7: {  	s1 =	rddreg [dreg:$0x1];
	p0 =	sne.s32 s2, $0x0  }
0xf8: {  	s3 =	rddreg [dreg:$0x2];
	[bflag:$0x3] =	sbarrier.arrive $0xFFFF;
	s2 =	simm.s32 @!p0 $0x1C02  }
0xf9: {  	[timem:s3], [sflag:s2] =	dma.local @!p0 [hbm:s0], s1  }
0xfa: {  	s0 =	simm.s32 @!p0 $0x2  }
0xfb: {  	_ =	swait.ge @!p0 [sflag:s0], s1  }
0xfc: {  	s1 =	ssub.s32 @!p0 $0x0, s1;
	[sflag:s0] =	ssyncset.done @!p0 $0x0  }
0xfd: {  	[sflag:s0] =	ssyncadd.s32 @!p0 s1  }
0xfe: {  	[bflag:$0x3] =	sbarrier.arrive $0xFFFF  }
0xff: {  	_ =	shalt  }

</sc_bundles>
